<compile_context>
chip_gen: v7x
topology: tpu7x:2x2x1
jax: 0.10.2.dev20260603
libtpu: 0.0.44.dev20260713+nightly
codegen_flags: <defaults>
</compile_context>

<pallas_src>
import functools

import jax
import jax.numpy as jnp
from jax import lax
from jax.experimental import pallas as pl
from jax.experimental.pallas import tpu as pltpu
from jax.experimental.pallas import tpu_sc as plsc

NUM_BINS = 256
BIN_SZ = 4.0
XL = 0.0
NUM_NETS = 50000
NUM_NODES = 60000
NUM_MOVABLE = 50000
NUM_PINS = 200000
UNIT_H_CAP = 1.5625
UNIT_V_CAP = 1.25
MAX_RATE = 2.0
MIN_RATE = 0.5
EPS = 1e-12
BIN_AREA = BIN_SZ * BIN_SZ

_NC, _NS = 2, 16
_NW = _NC * _NS
_NETS_PAD = 53248
_NET_BLK = 2048
_NET_GRID = _NETS_PAD // _NET_BLK

_MOV_PAD = 51200


def _sc_bbox_body(netw, base, pinp, fnp, wts,
                  xmin_o, xmax_o, ymin_o, ymax_o, hw_o, vw_o,
                  shx, shy, vb, idxv, gx, gy, wv,
                  xminv, xmaxv, yminv, ymaxv, hwv, vwv, sem):
    s = lax.axis_index("s")
    w = s * _NC + lax.axis_index("c")
    chunk = NUM_PINS // 8

    @pl.when(s < 8)
    def _():
        o = s * chunk
        pltpu.sync_copy(pinp.at[pl.ds(o, chunk)], vb)
        pltpu.sync_copy(vb, shx.at[pl.ds(o, chunk)])

    @pl.when(s >= 8)
    def _():
        o = (s - 8) * chunk
        pltpu.sync_copy(pinp.at[pl.ds(NUM_PINS + o, chunk)], vb)
        pltpu.sync_copy(vb, shy.at[pl.ds(o, chunk)])

    nslot = 4 * netw
    pltpu.sync_copy(fnp.at[pl.ds((base + w * netw) * 4, nslot)], idxv)
    pltpu.sync_copy(wts.at[pl.ds(base + w * netw, netw)], wv)
    plsc.subcore_barrier()
    nch = nslot // 128

    def fire(j, carry):
        sl = pl.ds(j * 128, 128)
        pltpu.async_copy(shx.at[idxv.at[sl]], gx.at[sl], sem)
        pltpu.async_copy(shy.at[idxv.at[sl]], gy.at[sl], sem)
        return carry

    lax.fori_loop(0, nch, fire, 0)

    def drain(j, carry):
        sl = pl.ds(j * 128, 128)
        pltpu.make_async_copy(shx.at[idxv.at[sl]], gx.at[sl], sem).wait()
        pltpu.make_async_copy(shy.at[idxv.at[sl]], gy.at[sl], sem).wait()
        return carry

    lax.fori_loop(0, nch, drain, 0)

    lanes4 = jax.lax.iota(jnp.int32, 16) * 4

    def body(t, carry):
        b = t * 16
        s = pl.ds(b, 16)
        sidx = lanes4 + b * 4
        x0, x1, x2, x3 = (plsc.load_gather(gx, [sidx + k]) for k in range(4))
        y0, y1, y2, y3 = (plsc.load_gather(gy, [sidx + k]) for k in range(4))
        xm = jnp.minimum(jnp.minimum(x0, x1), jnp.minimum(x2, x3))
        xM = jnp.maximum(jnp.maximum(x0, x1), jnp.maximum(x2, x3))
        ym = jnp.minimum(jnp.minimum(y0, y1), jnp.minimum(y2, y3))
        yM = jnp.maximum(jnp.maximum(y0, y1), jnp.maximum(y2, y3))
        ww = wv[s]
        xminv[s] = xm
        xmaxv[s] = xM
        yminv[s] = ym
        ymaxv[s] = yM
        hwv[s] = ww / (yM - ym + EPS)
        vwv[s] = ww / (xM - xm + EPS)
        return carry

    lax.fori_loop(0, netw // 16, body, 0)
    onets = pl.ds(w * netw, netw)
    pltpu.sync_copy(xminv, xmin_o.at[onets])
    pltpu.sync_copy(xmaxv, xmax_o.at[onets])
    pltpu.sync_copy(yminv, ymin_o.at[onets])
    pltpu.sync_copy(ymaxv, ymax_o.at[onets])
    pltpu.sync_copy(hwv, hw_o.at[onets])
    pltpu.sync_copy(vwv, vw_o.at[onets])


def _sc_bbox(pin_pos, fnp_pad, wts_pad, nets, base):
    f32 = jnp.float32
    netw = nets // _NW
    out = jax.ShapeDtypeStruct((nets,), f32)
    call = pl.kernel(
        functools.partial(_sc_bbox_body, netw, base),
        out_type=(out,) * 6,
        mesh=plsc.VectorSubcoreMesh(core_axis_name="c", subcore_axis_name="s",
                                    num_cores=_NC, num_subcores=_NS),
        scratch_types=[
            pltpu.VMEM_SHARED((NUM_PINS,), f32),
            pltpu.VMEM_SHARED((NUM_PINS,), f32),
            pltpu.VMEM((NUM_PINS // 8,), f32),
            pltpu.VMEM((4 * netw,), jnp.int32),
            pltpu.VMEM((4 * netw,), f32),
            pltpu.VMEM((4 * netw,), f32),
            pltpu.VMEM((netw,), f32),
            pltpu.VMEM((netw,), f32),
            pltpu.VMEM((netw,), f32),
            pltpu.VMEM((netw,), f32),
            pltpu.VMEM((netw,), f32),
            pltpu.VMEM((netw,), f32),
            pltpu.VMEM((netw,), f32),
            pltpu.SemaphoreType.DMA,
        ],
        compiler_params=pltpu.CompilerParams(needs_layout_passes=False),
    )
    return call(pin_pos, fnp_pad, wts_pad)


def _overlap_step(xmin_r, xmax_r, ymin_r, ymax_r, hw_r, vw_r):
    blo = lax.broadcasted_iota(jnp.int32, (NUM_BINS, 1), 0).astype(jnp.float32) * BIN_SZ
    bhi = blo + BIN_SZ
    ox = jnp.maximum(jnp.minimum(xmax_r[...], bhi) - jnp.maximum(xmin_r[...], blo), 0.0)
    oy = jnp.maximum(jnp.minimum(ymax_r[...], bhi) - jnp.maximum(ymin_r[...], blo), 0.0)
    dn = (((1,), (1,)), ((), ()))
    dh = lax.dot_general(ox * hw_r[...], oy, dn, preferred_element_type=jnp.float32)
    dv = lax.dot_general(ox * vw_r[...], oy, dn, preferred_element_type=jnp.float32)
    return dh, dv


def _tc_rudy1_body(xmin_r, xmax_r, ymin_r, ymax_r, hw_r, vw_r, h_ref, v_ref):
    i = pl.program_id(0)
    dh, dv = _overlap_step(xmin_r, xmax_r, ymin_r, ymax_r, hw_r, vw_r)

    @pl.when(i == 0)
    def _():
        h_ref[...] = dh
        v_ref[...] = dv

    @pl.when(i > 0)
    def _():
        h_ref[...] += dh
        v_ref[...] += dv


def _tc_rudy2_body(xmin_r, xmax_r, ymin_r, ymax_r, hw_r, vw_r, h0_ref, v0_ref,
                   ratio_ref, hacc, vacc):
    i = pl.program_id(0)

    @pl.when(i == 0)
    def _():
        hacc[...] = h0_ref[...]
        vacc[...] = v0_ref[...]

    dh, dv = _overlap_step(xmin_r, xmax_r, ymin_r, ymax_r, hw_r, vw_r)
    hacc[...] += dh
    vacc[...] += dv

    @pl.when(i == _NET_GRID // 2 - 1)
    def _():
        u = jnp.maximum(hacc[...] / (BIN_AREA * UNIT_H_CAP),
                        vacc[...] / (BIN_AREA * UNIT_V_CAP))
        ratio_ref[...] = jnp.clip(u, MIN_RATE, MAX_RATE)


_FULL = pl.BlockSpec((NUM_BINS, NUM_BINS), lambda i: (0, 0))
_ROW = pl.BlockSpec((None, 1, _NET_BLK), lambda i: (i, 0, 0))
_MAP = jax.ShapeDtypeStruct((NUM_BINS, NUM_BINS), jnp.float32)


def _tc_rudy1(xmin_r, xmax_r, ymin_r, ymax_r, hw_r, vw_r):
    return pl.pallas_call(
        _tc_rudy1_body,
        grid=(_NET_GRID // 2,),
        in_specs=[_ROW] * 6,
        out_specs=(_FULL, _FULL),
        out_shape=(_MAP, _MAP),
    )(xmin_r, xmax_r, ymin_r, ymax_r, hw_r, vw_r)


def _tc_rudy2(xmin_r, xmax_r, ymin_r, ymax_r, hw_r, vw_r, h0, v0):
    return pl.pallas_call(
        _tc_rudy2_body,
        grid=(_NET_GRID // 2,),
        in_specs=[_ROW] * 6 + [_FULL, _FULL],
        out_specs=_FULL,
        out_shape=_MAP,
        scratch_shapes=[pltpu.VMEM((NUM_BINS, NUM_BINS), jnp.float32)] * 2,
    )(xmin_r, xmax_r, ymin_r, ymax_r, hw_r, vw_r, h0, v0)


_MOV_W = _MOV_PAD // _NW


def _sc_inst_body(ratio, pos, sizx, sizy, area_o,
                  rt, pxv, pyv, sxv, syv, areav):
    w = lax.axis_index("s") * _NC + lax.axis_index("c")
    pltpu.sync_copy(ratio, rt)
    b0 = w * _MOV_W
    pltpu.sync_copy(pos.at[pl.ds(b0, _MOV_W)], pxv)
    pltpu.sync_copy(pos.at[pl.ds(NUM_NODES + b0, _MOV_W)], pyv)
    pltpu.sync_copy(sizx.at[pl.ds(b0, _MOV_W)], sxv)
    pltpu.sync_copy(sizy.at[pl.ds(b0, _MOV_W)], syv)

    def body(t, carry):
        sl = pl.ds(t * 16, 16)
        px = pxv[sl]
        py = pyv[sl]
        pxM = px + sxv[sl]
        pyM = py + syv[sl]
        bx0 = (px * 0.25).astype(jnp.int32)
        by0 = (py * 0.25).astype(jnp.int32)
        xlo = bx0.astype(jnp.float32) * BIN_SZ
        ylo = by0.astype(jnp.float32) * BIN_SZ
        wxs, bxs, wys, bys = [], [], [], []
        for a in range(3):
            blo = xlo + a * BIN_SZ
            wxs.append(jnp.maximum(
                jnp.minimum(pxM, blo + BIN_SZ) - jnp.maximum(px, blo), 0.0))
            bxs.append(jnp.minimum(bx0 + a, NUM_BINS - 1) * NUM_BINS)
            blo = ylo + a * BIN_SZ
            wys.append(jnp.maximum(
                jnp.minimum(pyM, blo + BIN_SZ) - jnp.maximum(py, blo), 0.0))
            bys.append(jnp.minimum(by0 + a, NUM_BINS - 1))
        acc = jnp.zeros((16,), jnp.float32)
        for a in range(3):
            for b in range(3):
                g = plsc.load_gather(rt, [bxs[a] + bys[b]])
                acc += (wxs[a] * wys[b]) * g
        areav[sl] = acc
        return carry

    lax.fori_loop(0, _MOV_W // 16, body, 0)
    tail = NUM_MOVABLE - (_NW - 1) * _MOV_W

    @pl.when(w < _NW - 1)
    def _():
        pltpu.sync_copy(areav, area_o.at[pl.ds(b0, _MOV_W)])

    @pl.when(w == _NW - 1)
    def _():
        pltpu.sync_copy(areav.at[pl.ds(0, tail)], area_o.at[pl.ds(b0, tail)])


def _sc_inst(ratio, pos, sizx, sizy):
    f32 = jnp.float32
    call = pl.kernel(
        _sc_inst_body,
        out_type=jax.ShapeDtypeStruct((NUM_MOVABLE,), f32),
        mesh=plsc.VectorSubcoreMesh(core_axis_name="c", subcore_axis_name="s",
                                    num_cores=_NC, num_subcores=_NS),
        scratch_types=[
            pltpu.VMEM((NUM_BINS * NUM_BINS,), f32),
            pltpu.VMEM((_MOV_W,), f32),
            pltpu.VMEM((_MOV_W,), f32),
            pltpu.VMEM((_MOV_W,), f32),
            pltpu.VMEM((_MOV_W,), f32),
            pltpu.VMEM((_MOV_W,), f32),
        ],
        compiler_params=pltpu.CompilerParams(needs_layout_passes=False),
    )
    return call(ratio, pos, sizx, sizy)


def _rows_net(a):
    return a.reshape(_NET_GRID // 2, 1, _NET_BLK)


@jax.jit
def kernel(pos, pin_pos, node_size_x, node_size_y, netpin_start, flat_netpin, net_weights):
    del netpin_start
    f32 = jnp.float32
    fnp_pad = jnp.concatenate(
        [flat_netpin, jnp.zeros((_NETS_PAD * 4 - 4 * NUM_NETS,), jnp.int32)])
    wts_pad = jnp.concatenate(
        [net_weights, jnp.zeros((_NETS_PAD - NUM_NETS,), f32)])

    half = _NETS_PAD // 2
    boxa = _sc_bbox(pin_pos, flat_netpin, net_weights, half, 0)
    boxb = _sc_bbox(pin_pos, fnp_pad, wts_pad, half, half)
    h0, v0 = _tc_rudy1(*(_rows_net(a) for a in boxa))
    ratio = _tc_rudy2(*(_rows_net(b) for b in boxb), h0, v0)

    return _sc_inst(ratio.reshape(NUM_BINS * NUM_BINS),
                    pos, node_size_x, node_size_y)

# --- scband reference (transcript-rebuilt; emitter-appended) ---
"""Pipeline reference for scband-instance-route-optimization-area-53558242181774 (READ-ONLY COPY).

The authoritative reference and input builder live on the scoring server;
editing this copy changes nothing except your own understanding.
"""

import jax, jax.numpy as jnp
import numpy as np

NUM_BINS_X = 256
NUM_BINS_Y = 256
XL, XH, YL, YH = 0.0, 1024.0, 0.0, 1024.0
BIN_SIZE_X = (XH - XL) / NUM_BINS_X
BIN_SIZE_Y = (YH - YL) / NUM_BINS_Y
NUM_NETS = 50000
NUM_NODES = 60000
NUM_MOVABLE = 50000
NUM_PINS = 200000
UNIT_H_CAP = 1.5625
UNIT_V_CAP = 1.25
MAX_RATE = 2.0
MIN_RATE = 1.0 / MAX_RATE


def setup_inputs(seed: int = 0) -> dict:
    key = jax.random.key(seed)
    ks = jax.random.split(key, 8)
    node_size_x = jax.random.uniform(ks[0], (NUM_NODES,), jnp.float32, 1.0, 5.0)
    node_size_y = jax.random.uniform(ks[1], (NUM_NODES,), jnp.float32, 1.0, 5.0)
    pos_x = jax.random.uniform(ks[2], (NUM_NODES,), jnp.float32, XL, XH - 5.0)
    pos_y = jax.random.uniform(ks[3], (NUM_NODES,), jnp.float32, YL, YH - 5.0)
    pos = jnp.concatenate([pos_x, pos_y])
    pin_x = jax.random.uniform(ks[4], (NUM_PINS,), jnp.float32, XL, XH)
    pin_y = jax.random.uniform(ks[5], (NUM_PINS,), jnp.float32, YL, YH)
    pin_pos = jnp.concatenate([pin_x, pin_y])
    netpin_start = jnp.arange(NUM_NETS + 1, dtype=jnp.int32) * (NUM_PINS // NUM_NETS)
    flat_netpin = jax.random.permutation(ks[6], NUM_PINS).astype(jnp.int32)
    net_weights = jnp.ones((NUM_NETS,), jnp.float32)
    return {
        'pos': pos,
        'pin_pos': pin_pos,
        'node_size_x': node_size_x,
        'node_size_y': node_size_y,
        'netpin_start': netpin_start,
        'flat_netpin': flat_netpin,
        'net_weights': net_weights,
    }


def reference(pos, pin_pos, node_size_x, node_size_y, netpin_start, flat_netpin, net_weights):
    num_pins = pin_pos.shape[0] // 2
    P = flat_netpin.shape[0]
    # ragged net -> pins: assign each flat pin slot its net id
    net_ids = jnp.searchsorted(netpin_start, jnp.arange(P, dtype=netpin_start.dtype), side='right') - 1
    px = pin_pos[flat_netpin]
    py = pin_pos[flat_netpin + num_pins]
    # per-net bounding boxes via segment reductions
    x_max = jax.ops.segment_max(px, net_ids, num_segments=NUM_NETS)
    x_min = jax.ops.segment_min(px, net_ids, num_segments=NUM_NETS)
    y_max = jax.ops.segment_max(py, net_ids, num_segments=NUM_NETS)
    y_min = jax.ops.segment_min(py, net_ids, num_segments=NUM_NETS)
    # bin edges
    bx_lo = XL + BIN_SIZE_X * jnp.arange(NUM_BINS_X, dtype=jnp.float32)
    bx_hi = bx_lo + BIN_SIZE_X
    by_lo = YL + BIN_SIZE_Y * jnp.arange(NUM_BINS_Y, dtype=jnp.float32)
    by_hi = by_lo + BIN_SIZE_Y
    # per-net per-bin 1D overlaps
    ox = jnp.clip(jnp.minimum(x_max[:, None], bx_hi[None, :]) - jnp.maximum(x_min[:, None], bx_lo[None, :]), 0.0, None)
    oy = jnp.clip(jnp.minimum(y_max[:, None], by_hi[None, :]) - jnp.maximum(y_min[:, None], by_lo[None, :]), 0.0, None)
    eps = 1e-12
    # RUDY: horizontal demand density = wt / bbox_height, vertical = wt / bbox_width
    hw = net_weights / (y_max - y_min + eps)
    vw = net_weights / (x_max - x_min + eps)
    hdem = (hw[:, None] * ox).T @ oy  # [BX, BY]
    vdem = (vw[:, None] * ox).T @ oy  # [BX, BY]
    bin_area = BIN_SIZE_X * BIN_SIZE_Y
    u_x = hdem / (bin_area * UNIT_H_CAP)
    u_y = vdem / (bin_area * UNIT_V_CAP)
    ratio = jnp.clip(jnp.maximum(u_x, u_y), MIN_RATE, MAX_RATE)
    # per-movable-instance area weighted by clamped congestion ratio
    nx_min = pos[:NUM_MOVABLE]
    nx_max = nx_min + node_size_x[:NUM_MOVABLE]
    ny_min = pos[NUM_NODES:NUM_NODES + NUM_MOVABLE]
    ny_max = ny_min + node_size_y[:NUM_MOVABLE]
    nox = jnp.clip(jnp.minimum(nx_max[:, None], bx_hi[None, :]) - jnp.maximum(nx_min[:, None], bx_lo[None, :]), 0.0, None)
    noy = jnp.clip(jnp.minimum(ny_max[:, None], by_hi[None, :]) - jnp.maximum(ny_min[:, None], by_lo[None, :]), 0.0, None)
    instance_route_area = jnp.einsum('ib,bc,ic->i', nox, ratio, noy)
    return instance_route_area

if __name__ == "__main__":
    import jax
    _d = setup_inputs()
    print(jax.jit(kernel)(*tuple(_d.values())))

</pallas_src>

<mosaic_0001>
#map = affine_map<(d0, d1) -> (0)>
module attributes {stable_mosaic.version = 14 : i64} {
  func.func @_sc_bbox_body(%arg0: i32, %arg1: i32, %arg2: memref<400000xf32, #tpu.memory_space<hbm>>, %arg3: memref<200000xi32, #tpu.memory_space<hbm>>, %arg4: memref<50000xf32, #tpu.memory_space<hbm>>, %arg5: memref<26624xf32, #tpu.memory_space<hbm>>, %arg6: memref<26624xf32, #tpu.memory_space<hbm>>, %arg7: memref<26624xf32, #tpu.memory_space<hbm>>, %arg8: memref<26624xf32, #tpu.memory_space<hbm>>, %arg9: memref<26624xf32, #tpu.memory_space<hbm>>, %arg10: memref<26624xf32, #tpu.memory_space<hbm>>, %arg11: memref<200000xf32, #tpu.memory_space<vmem_shared>>, %arg12: memref<200000xf32, #tpu.memory_space<vmem_shared>>, %arg13: memref<25000xf32, #tpu.memory_space<vmem>>, %arg14: memref<3328xi32, #tpu.memory_space<vmem>>, %arg15: memref<3328xf32, #tpu.memory_space<vmem>>, %arg16: memref<3328xf32, #tpu.memory_space<vmem>>, %arg17: memref<832xf32, #tpu.memory_space<vmem>>, %arg18: memref<832xf32, #tpu.memory_space<vmem>>, %arg19: memref<832xf32, #tpu.memory_space<vmem>>, %arg20: memref<832xf32, #tpu.memory_space<vmem>>, %arg21: memref<832xf32, #tpu.memory_space<vmem>>, %arg22: memref<832xf32, #tpu.memory_space<vmem>>, %arg23: memref<832xf32, #tpu.memory_space<vmem>>, %arg24: memref<!tpu.dma_semaphore, #tpu.memory_space<semaphore_mem>>) attributes {dimension_semantics = [#tpu.dimension_semantics<core_parallel>, #tpu.dimension_semantics<subcore_parallel>], iteration_bounds = array<i64: 2, 16>, scalar_prefetch = 0 : i64, scratch_operands = 14 : i64, tpu.core_type = #tpu.core_type<sc_vector_subcore>, window_params = [{transform_indices = #map}, {transform_indices = #map}, {transform_indices = #map}, {transform_indices = #map}, {transform_indices = #map}, {transform_indices = #map}, {transform_indices = #map}, {transform_indices = #map}, {transform_indices = #map}]} {
    %mul3A = arith.constant 2 : i32
    %mul3A_0 = arith.muli %arg1, %mul3A : i32
    %add3A = arith.addi %mul3A_0, %arg0 : i32
    %lt3A = arith.constant 8 : i32
    %lt3A_1 = arith.cmpi slt, %arg1, %lt3A : i32
    %convert_element_type3A = arith.extui %lt3A_1 : i1 to i32
    %cond3A = arith.constant 0 : i32
    %cond3A_2 = arith.cmpi ne, %convert_element_type3A, %cond3A : i32
    scf.if %cond3A_2 {
      %mul3A_39 = arith.constant 25000 : i32
      %mul3A_40 = arith.muli %arg1, %mul3A_39 : i32
      "tpu.region"() ({
        %run_scoped3A = tpu.sem_alloc : memref<!tpu.dma_semaphore, #tpu.memory_space<semaphore_mem>>
        %dma_start3A = tpu.memref_slice %arg2[%mul3A_40] : memref<400000xf32, #tpu.memory_space<hbm>> -> memref<25000xf32, #tpu.memory_space<hbm>>
        %dma_start3A_41 = tpu.memref_slice %arg2[%mul3A_40] : memref<400000xf32, #tpu.memory_space<hbm>> -> memref<25000xf32, #tpu.memory_space<hbm>>
        tpu.enqueue_dma source(%dma_start3A_41 : memref<25000xf32, #tpu.memory_space<hbm>>) target(%arg13 : memref<25000xf32, #tpu.memory_space<vmem>>) target_semaphore(%run_scoped3A : memref<!tpu.dma_semaphore, #tpu.memory_space<semaphore_mem>>)
        %dma_wait3A = tpu.memref_slice %arg2[%mul3A_40] : memref<400000xf32, #tpu.memory_space<hbm>> -> memref<25000xf32, #tpu.memory_space<hbm>>
        %dma_wait3A_42 = tpu.memref_slice %arg2[%mul3A_40] : memref<400000xf32, #tpu.memory_space<hbm>> -> memref<25000xf32, #tpu.memory_space<hbm>>
        tpu.wait_dma2 semaphore(%run_scoped3A : memref<!tpu.dma_semaphore, #tpu.memory_space<semaphore_mem>>) src(%dma_wait3A_42 : memref<25000xf32, #tpu.memory_space<hbm>>) dst(%arg13 : memref<25000xf32, #tpu.memory_space<vmem>>)
        tpu.yield
      }) : () -> ()
      "tpu.region"() ({
        %run_scoped3A = tpu.sem_alloc : memref<!tpu.dma_semaphore, #tpu.memory_space<semaphore_mem>>
        %dma_start3A = tpu.memref_slice %arg11[%mul3A_40] : memref<200000xf32, #tpu.memory_space<vmem_shared>> -> memref<25000xf32, #tpu.memory_space<vmem_shared>>
        %dma_start3A_41 = tpu.memref_slice %arg11[%mul3A_40] : memref<200000xf32, #tpu.memory_space<vmem_shared>> -> memref<25000xf32, #tpu.memory_space<vmem_shared>>
        tpu.enqueue_dma source(%arg13 : memref<25000xf32, #tpu.memory_space<vmem>>) target(%dma_start3A_41 : memref<25000xf32, #tpu.memory_space<vmem_shared>>) target_semaphore(%run_scoped3A : memref<!tpu.dma_semaphore, #tpu.memory_space<semaphore_mem>>)
        %dma_wait3A = tpu.memref_slice %arg11[%mul3A_40] : memref<200000xf32, #tpu.memory_space<vmem_shared>> -> memref<25000xf32, #tpu.memory_space<vmem_shared>>
        %dma_wait3A_42 = tpu.memref_slice %arg11[%mul3A_40] : memref<200000xf32, #tpu.memory_space<vmem_shared>> -> memref<25000xf32, #tpu.memory_space<vmem_shared>>
        tpu.wait_dma2 semaphore(%run_scoped3A : memref<!tpu.dma_semaphore, #tpu.memory_space<semaphore_mem>>) src(%arg13 : memref<25000xf32, #tpu.memory_space<vmem>>) dst(%dma_wait3A_42 : memref<25000xf32, #tpu.memory_space<vmem_shared>>)
        tpu.yield
      }) : () -> ()
    } else {
    }
    %ge3A = arith.constant 8 : i32
    %ge3A_3 = arith.cmpi sge, %arg1, %ge3A : i32
    %convert_element_type3A_4 = arith.extui %ge3A_3 : i1 to i32
    %cond3A_5 = arith.constant 0 : i32
    %cond3A_6 = arith.cmpi ne, %convert_element_type3A_4, %cond3A_5 : i32
    scf.if %cond3A_6 {
      %sub3A = arith.constant 8 : i32
      %sub3A_39 = arith.subi %arg1, %sub3A : i32
      %mul3A_40 = arith.constant 25000 : i32
      %mul3A_41 = arith.muli %sub3A_39, %mul3A_40 : i32
      %add3A_42 = arith.constant 200000 : i32
      %add3A_43 = arith.addi %add3A_42, %mul3A_41 : i32
      "tpu.region"() ({
        %run_scoped3A = tpu.sem_alloc : memref<!tpu.dma_semaphore, #tpu.memory_space<semaphore_mem>>
        %dma_start3A = tpu.memref_slice %arg2[%add3A_43] : memref<400000xf32, #tpu.memory_space<hbm>> -> memref<25000xf32, #tpu.memory_space<hbm>>
        %dma_start3A_44 = tpu.memref_slice %arg2[%add3A_43] : memref<400000xf32, #tpu.memory_space<hbm>> -> memref<25000xf32, #tpu.memory_space<hbm>>
        tpu.enqueue_dma source(%dma_start3A_44 : memref<25000xf32, #tpu.memory_space<hbm>>) target(%arg13 : memref<25000xf32, #tpu.memory_space<vmem>>) target_semaphore(%run_scoped3A : memref<!tpu.dma_semaphore, #tpu.memory_space<semaphore_mem>>)
        %dma_wait3A = tpu.memref_slice %arg2[%add3A_43] : memref<400000xf32, #tpu.memory_space<hbm>> -> memref<25000xf32, #tpu.memory_space<hbm>>
        %dma_wait3A_45 = tpu.memref_slice %arg2[%add3A_43] : memref<400000xf32, #tpu.memory_space<hbm>> -> memref<25000xf32, #tpu.memory_space<hbm>>
        tpu.wait_dma2 semaphore(%run_scoped3A : memref<!tpu.dma_semaphore, #tpu.memory_space<semaphore_mem>>) src(%dma_wait3A_45 : memref<25000xf32, #tpu.memory_space<hbm>>) dst(%arg13 : memref<25000xf32, #tpu.memory_space<vmem>>)
        tpu.yield
      }) : () -> ()
      "tpu.region"() ({
        %run_scoped3A = tpu.sem_alloc : memref<!tpu.dma_semaphore, #tpu.memory_space<semaphore_mem>>
        %dma_start3A = tpu.memref_slice %arg12[%mul3A_41] : memref<200000xf32, #tpu.memory_space<vmem_shared>> -> memref<25000xf32, #tpu.memory_space<vmem_shared>>
        %dma_start3A_44 = tpu.memref_slice %arg12[%mul3A_41] : memref<200000xf32, #tpu.memory_space<vmem_shared>> -> memref<25000xf32, #tpu.memory_space<vmem_shared>>
        tpu.enqueue_dma source(%arg13 : memref<25000xf32, #tpu.memory_space<vmem>>) target(%dma_start3A_44 : memref<25000xf32, #tpu.memory_space<vmem_shared>>) target_semaphore(%run_scoped3A : memref<!tpu.dma_semaphore, #tpu.memory_space<semaphore_mem>>)
        %dma_wait3A = tpu.memref_slice %arg12[%mul3A_41] : memref<200000xf32, #tpu.memory_space<vmem_shared>> -> memref<25000xf32, #tpu.memory_space<vmem_shared>>
        %dma_wait3A_45 = tpu.memref_slice %arg12[%mul3A_41] : memref<200000xf32, #tpu.memory_space<vmem_shared>> -> memref<25000xf32, #tpu.memory_space<vmem_shared>>
        tpu.wait_dma2 semaphore(%run_scoped3A : memref<!tpu.dma_semaphore, #tpu.memory_space<semaphore_mem>>) src(%arg13 : memref<25000xf32, #tpu.memory_space<vmem>>) dst(%dma_wait3A_45 : memref<25000xf32, #tpu.memory_space<vmem_shared>>)
        tpu.yield
      }) : () -> ()
    } else {
    }
    %mul3A_7 = arith.constant 832 : i32
    %mul3A_8 = arith.muli %add3A, %mul3A_7 : i32
    %add3A_9 = arith.constant 0 : i32
    %add3A_10 = arith.addi %add3A_9, %mul3A_8 : i32
    %mul3A_11 = arith.constant 4 : i32
    %mul3A_12 = arith.muli %add3A_10, %mul3A_11 : i32
    "tpu.region"() ({
      %run_scoped3A = tpu.sem_alloc : memref<!tpu.dma_semaphore, #tpu.memory_space<semaphore_mem>>
      %dma_start3A = tpu.memref_slice %arg3[%mul3A_12] : memref<200000xi32, #tpu.memory_space<hbm>> -> memref<3328xi32, #tpu.memory_space<hbm>>
      %dma_start3A_39 = tpu.memref_slice %arg3[%mul3A_12] : memref<200000xi32, #tpu.memory_space<hbm>> -> memref<3328xi32, #tpu.memory_space<hbm>>
      tpu.enqueue_dma source(%dma_start3A_39 : memref<3328xi32, #tpu.memory_space<hbm>>) target(%arg14 : memref<3328xi32, #tpu.memory_space<vmem>>) target_semaphore(%run_scoped3A : memref<!tpu.dma_semaphore, #tpu.memory_space<semaphore_mem>>)
      %dma_wait3A = tpu.memref_slice %arg3[%mul3A_12] : memref<200000xi32, #tpu.memory_space<hbm>> -> memref<3328xi32, #tpu.memory_space<hbm>>
      %dma_wait3A_40 = tpu.memref_slice %arg3[%mul3A_12] : memref<200000xi32, #tpu.memory_space<hbm>> -> memref<3328xi32, #tpu.memory_space<hbm>>
      tpu.wait_dma2 semaphore(%run_scoped3A : memref<!tpu.dma_semaphore, #tpu.memory_space<semaphore_mem>>) src(%dma_wait3A_40 : memref<3328xi32, #tpu.memory_space<hbm>>) dst(%arg14 : memref<3328xi32, #tpu.memory_space<vmem>>)
      tpu.yield
    }) : () -> ()
    %mul3A_13 = arith.constant 832 : i32
    %mul3A_14 = arith.muli %add3A, %mul3A_13 : i32
    %add3A_15 = arith.constant 0 : i32
    %add3A_16 = arith.addi %add3A_15, %mul3A_14 : i32
    "tpu.region"() ({
      %run_scoped3A = tpu.sem_alloc : memref<!tpu.dma_semaphore, #tpu.memory_space<semaphore_mem>>
      %dma_start3A = tpu.memref_slice %arg4[%add3A_16] : memref<50000xf32, #tpu.memory_space<hbm>> -> memref<832xf32, #tpu.memory_space<hbm>>
      %dma_start3A_39 = tpu.memref_slice %arg4[%add3A_16] : memref<50000xf32, #tpu.memory_space<hbm>> -> memref<832xf32, #tpu.memory_space<hbm>>
      tpu.enqueue_dma source(%dma_start3A_39 : memref<832xf32, #tpu.memory_space<hbm>>) target(%arg17 : memref<832xf32, #tpu.memory_space<vmem>>) target_semaphore(%run_scoped3A : memref<!tpu.dma_semaphore, #tpu.memory_space<semaphore_mem>>)
      %dma_wait3A = tpu.memref_slice %arg4[%add3A_16] : memref<50000xf32, #tpu.memory_space<hbm>> -> memref<832xf32, #tpu.memory_space<hbm>>
      %dma_wait3A_40 = tpu.memref_slice %arg4[%add3A_16] : memref<50000xf32, #tpu.memory_space<hbm>> -> memref<832xf32, #tpu.memory_space<hbm>>
      tpu.wait_dma2 semaphore(%run_scoped3A : memref<!tpu.dma_semaphore, #tpu.memory_space<semaphore_mem>>) src(%dma_wait3A_40 : memref<832xf32, #tpu.memory_space<hbm>>) dst(%arg17 : memref<832xf32, #tpu.memory_space<vmem>>)
      tpu.yield
    }) : () -> ()
    %barrier3A = arith.constant 0 : index
    tpu.barrier barrier_id(%barrier3A)
    %scan3A = arith.constant 0 : i32
    %scan3A_17 = arith.constant 0 : i32
    %scan3A_18 = arith.constant 26 : i32
    %scan3A_19 = arith.addi %scan3A_17, %scan3A_18 : i32
    %scan3A_20 = arith.constant 1 : i32
    scf.for %scan3A_39 = %scan3A_17 to %scan3A_19 step %scan3A_20  : i32 {
      %mul3A_40 = arith.constant 128 : i32
      %mul3A_41 = arith.muli %scan3A_39, %mul3A_40 : i32
      %dma_start3A = tpu.memref_slice %arg15[%mul3A_41] : memref<3328xf32, #tpu.memory_space<vmem>> -> memref<128xf32, #tpu.memory_space<vmem>>
      %dma_start3A_42 = tpu.memref_slice %arg14[%mul3A_41] : memref<3328xi32, #tpu.memory_space<vmem>> -> memref<128xi32, #tpu.memory_space<vmem>>
      %dma_start3A_43 = arith.constant 0 : i32
      %dma_start3A_44 = tpu.memref_slice %arg11[%dma_start3A_43] : memref<200000xf32, #tpu.memory_space<vmem_shared>> -> memref<200000xf32, #tpu.memory_space<vmem_shared>>
      tpu.enqueue_indirect_dma source(%dma_start3A_44 : memref<200000xf32, #tpu.memory_space<vmem_shared>>) target(%dma_start3A : memref<128xf32, #tpu.memory_space<vmem>>) offsets(%dma_start3A_42 : memref<128xi32, #tpu.memory_space<vmem>>) semaphore(%arg24 : memref<!tpu.dma_semaphore, #tpu.memory_space<semaphore_mem>>)
      %dma_start3A_45 = tpu.memref_slice %arg16[%mul3A_41] : memref<3328xf32, #tpu.memory_space<vmem>> -> memref<128xf32, #tpu.memory_space<vmem>>
      %dma_start3A_46 = tpu.memref_slice %arg14[%mul3A_41] : memref<3328xi32, #tpu.memory_space<vmem>> -> memref<128xi32, #tpu.memory_space<vmem>>
      %dma_start3A_47 = arith.constant 0 : i32
      %dma_start3A_48 = tpu.memref_slice %arg12[%dma_start3A_47] : memref<200000xf32, #tpu.memory_space<vmem_shared>> -> memref<200000xf32, #tpu.memory_space<vmem_shared>>
      tpu.enqueue_indirect_dma source(%dma_start3A_48 : memref<200000xf32, #tpu.memory_space<vmem_shared>>) target(%dma_start3A_45 : memref<128xf32, #tpu.memory_space<vmem>>) offsets(%dma_start3A_46 : memref<128xi32, #tpu.memory_space<vmem>>) semaphore(%arg24 : memref<!tpu.dma_semaphore, #tpu.memory_space<semaphore_mem>>)
    }
    %scan3A_21 = arith.constant 26 : i32
    %scan3A_22 = arith.constant 0 : i32
    %scan3A_23 = arith.constant 0 : i32
    %scan3A_24 = arith.constant 26 : i32
    %scan3A_25 = arith.addi %scan3A_23, %scan3A_24 : i32
    %scan3A_26 = arith.constant 1 : i32
    scf.for %scan3A_39 = %scan3A_23 to %scan3A_25 step %scan3A_26  : i32 {
      %mul3A_40 = arith.constant 128 : i32
      %mul3A_41 = arith.muli %scan3A_39, %mul3A_40 : i32
      %dma_wait3A = tpu.memref_slice %arg15[%mul3A_41] : memref<3328xf32, #tpu.memory_space<vmem>> -> memref<128xf32, #tpu.memory_space<vmem>>
      %dma_wait3A_42 = tpu.memref_slice %arg14[%mul3A_41] : memref<3328xi32, #tpu.memory_space<vmem>> -> memref<128xi32, #tpu.memory_space<vmem>>
      %dma_wait3A_43 = arith.constant 0 : i32
      %dma_wait3A_44 = tpu.memref_slice %arg11[%dma_wait3A_43] : memref<200000xf32, #tpu.memory_space<vmem_shared>> -> memref<200000xf32, #tpu.memory_space<vmem_shared>>
      tpu.wait_indirect_dma semaphore(%arg24 : memref<!tpu.dma_semaphore, #tpu.memory_space<semaphore_mem>>) src(%dma_wait3A_44 : memref<200000xf32, #tpu.memory_space<vmem_shared>>) dst(%dma_wait3A : memref<128xf32, #tpu.memory_space<vmem>>)
      %dma_wait3A_45 = tpu.memref_slice %arg16[%mul3A_41] : memref<3328xf32, #tpu.memory_space<vmem>> -> memref<128xf32, #tpu.memory_space<vmem>>
      %dma_wait3A_46 = tpu.memref_slice %arg14[%mul3A_41] : memref<3328xi32, #tpu.memory_space<vmem>> -> memref<128xi32, #tpu.memory_space<vmem>>
      %dma_wait3A_47 = arith.constant 0 : i32
      %dma_wait3A_48 = tpu.memref_slice %arg12[%dma_wait3A_47] : memref<200000xf32, #tpu.memory_space<vmem_shared>> -> memref<200000xf32, #tpu.memory_space<vmem_shared>>
      tpu.wait_indirect_dma semaphore(%arg24 : memref<!tpu.dma_semaphore, #tpu.memory_space<semaphore_mem>>) src(%dma_wait3A_48 : memref<200000xf32, #tpu.memory_space<vmem_shared>>) dst(%dma_wait3A_45 : memref<128xf32, #tpu.memory_space<vmem>>)
    }
    %scan3A_27 = arith.constant 26 : i32
    %iota3A = tpu.iota {dimensions = array<i32: 0>} : vector<16xi32>
    %mul3A_28 = arith.constant 4 : i32
    %mul3A_29 = vector.broadcast %mul3A_28 : i32 to vector<16xi32>
    %mul3A_30 = arith.muli %iota3A, %mul3A_29 : vector<16xi32>
    %scan3A_31 = arith.constant 0 : i32
    %scan3A_32 = arith.constant 0 : i32
    %scan3A_33 = arith.constant 52 : i32
    %scan3A_34 = arith.addi %scan3A_32, %scan3A_33 : i32
    %scan3A_35 = arith.constant 1 : i32
    scf.for %scan3A_39 = %scan3A_32 to %scan3A_34 step %scan3A_35  : i32 {
      %mul3A_40 = arith.constant 16 : i32
      %mul3A_41 = arith.muli %scan3A_39, %mul3A_40 : i32
      %mul3A_42 = arith.constant 4 : i32
      %mul3A_43 = arith.muli %mul3A_41, %mul3A_42 : i32
      %add3A_44 = vector.broadcast %mul3A_43 : i32 to vector<16xi32>
      %add3A_45 = arith.addi %mul3A_30, %add3A_44 : vector<16xi32>
      %add3A_46 = arith.constant 0 : i32
      %add3A_47 = vector.broadcast %add3A_46 : i32 to vector<16xi32>
      %add3A_48 = arith.addi %add3A_45, %add3A_47 : vector<16xi32>
      %gather3A = tpu.vector_load_idx %arg15[%add3A_48] : memref<3328xf32, #tpu.memory_space<vmem>>[vector<16xi32>], vector<16xf32>,
      %add3A_49 = arith.constant 1 : i32
      %add3A_50 = vector.broadcast %add3A_49 : i32 to vector<16xi32>
      %add3A_51 = arith.addi %add3A_45, %add3A_50 : vector<16xi32>
      %gather3A_52 = tpu.vector_load_idx %arg15[%add3A_51] : memref<3328xf32, #tpu.memory_space<vmem>>[vector<16xi32>], vector<16xf32>,
      %add3A_53 = arith.constant 2 : i32
      %add3A_54 = vector.broadcast %add3A_53 : i32 to vector<16xi32>
      %add3A_55 = arith.addi %add3A_45, %add3A_54 : vector<16xi32>
      %gather3A_56 = tpu.vector_load_idx %arg15[%add3A_55] : memref<3328xf32, #tpu.memory_space<vmem>>[vector<16xi32>], vector<16xf32>,
      %add3A_57 = arith.constant 3 : i32
      %add3A_58 = vector.broadcast %add3A_57 : i32 to vector<16xi32>
      %add3A_59 = arith.addi %add3A_45, %add3A_58 : vector<16xi32>
      %gather3A_60 = tpu.vector_load_idx %arg15[%add3A_59] : memref<3328xf32, #tpu.memory_space<vmem>>[vector<16xi32>], vector<16xf32>,
      %add3A_61 = arith.constant 0 : i32
      %add3A_62 = vector.broadcast %add3A_61 : i32 to vector<16xi32>
      %add3A_63 = arith.addi %add3A_45, %add3A_62 : vector<16xi32>
      %gather3A_64 = tpu.vector_load_idx %arg16[%add3A_63] : memref<3328xf32, #tpu.memory_space<vmem>>[vector<16xi32>], vector<16xf32>,
      %add3A_65 = arith.constant 1 : i32
      %add3A_66 = vector.broadcast %add3A_65 : i32 to vector<16xi32>
      %add3A_67 = arith.addi %add3A_45, %add3A_66 : vector<16xi32>
      %gather3A_68 = tpu.vector_load_idx %arg16[%add3A_67] : memref<3328xf32, #tpu.memory_space<vmem>>[vector<16xi32>], vector<16xf32>,
      %add3A_69 = arith.constant 2 : i32
      %add3A_70 = vector.broadcast %add3A_69 : i32 to vector<16xi32>
      %add3A_71 = arith.addi %add3A_45, %add3A_70 : vector<16xi32>
      %gather3A_72 = tpu.vector_load_idx %arg16[%add3A_71] : memref<3328xf32, #tpu.memory_space<vmem>>[vector<16xi32>], vector<16xf32>,
      %add3A_73 = arith.constant 3 : i32
      %add3A_74 = vector.broadcast %add3A_73 : i32 to vector<16xi32>
      %add3A_75 = arith.addi %add3A_45, %add3A_74 : vector<16xi32>
      %gather3A_76 = tpu.vector_load_idx %arg16[%add3A_75] : memref<3328xf32, #tpu.memory_space<vmem>>[vector<16xi32>], vector<16xf32>,
      %min3A = arith.minimumf %gather3A, %gather3A_52 : vector<16xf32>
      %min3A_77 = arith.minimumf %gather3A_56, %gather3A_60 : vector<16xf32>
      %min3A_78 = arith.minimumf %min3A, %min3A_77 : vector<16xf32>
      %max3A = arith.maximumf %gather3A, %gather3A_52 : vector<16xf32>
      %max3A_79 = arith.maximumf %gather3A_56, %gather3A_60 : vector<16xf32>
      %max3A_80 = arith.maximumf %max3A, %max3A_79 : vector<16xf32>
      %min3A_81 = arith.minimumf %gather3A_64, %gather3A_68 : vector<16xf32>
      %min3A_82 = arith.minimumf %gather3A_72, %gather3A_76 : vector<16xf32>
      %min3A_83 = arith.minimumf %min3A_81, %min3A_82 : vector<16xf32>
      %max3A_84 = arith.maximumf %gather3A_64, %gather3A_68 : vector<16xf32>
      %max3A_85 = arith.maximumf %gather3A_72, %gather3A_76 : vector<16xf32>
      %max3A_86 = arith.maximumf %max3A_84, %max3A_85 : vector<16xf32>
      %get3A = arith.index_cast %mul3A_41 : i32 to index
      %get3A_87 = tpu.vector_load %arg17[%get3A] {strides = array<i32>} : memref<832xf32, #tpu.memory_space<vmem>>, vector<16xf32>,
      %swap3A = arith.index_cast %mul3A_41 : i32 to index
      %swap3A_88 = tpu.vector_load %arg18[%swap3A] {strides = array<i32>} : memref<832xf32, #tpu.memory_space<vmem>>, vector<16xf32>,
      tpu.vector_store %arg18[%swap3A], %min3A_78 {strides = array<i32>} : memref<832xf32, #tpu.memory_space<vmem>>, vector<16xf32>,
      %swap3A_89 = arith.index_cast %mul3A_41 : i32 to index
      %swap3A_90 = tpu.vector_load %arg19[%swap3A_89] {strides = array<i32>} : memref<832xf32, #tpu.memory_space<vmem>>, vector<16xf32>,
      tpu.vector_store %arg19[%swap3A_89], %max3A_80 {strides = array<i32>} : memref<832xf32, #tpu.memory_space<vmem>>, vector<16xf32>,
      %swap3A_91 = arith.index_cast %mul3A_41 : i32 to index
      %swap3A_92 = tpu.vector_load %arg20[%swap3A_91] {strides = array<i32>} : memref<832xf32, #tpu.memory_space<vmem>>, vector<16xf32>,
      tpu.vector_store %arg20[%swap3A_91], %min3A_83 {strides = array<i32>} : memref<832xf32, #tpu.memory_space<vmem>>, vector<16xf32>,
      %swap3A_93 = arith.index_cast %mul3A_41 : i32 to index
      %swap3A_94 = tpu.vector_load %arg21[%swap3A_93] {strides = array<i32>} : memref<832xf32, #tpu.memory_space<vmem>>, vector<16xf32>,
      tpu.vector_store %arg21[%swap3A_93], %max3A_86 {strides = array<i32>} : memref<832xf32, #tpu.memory_space<vmem>>, vector<16xf32>,
      %sub3A = arith.subf %max3A_86, %min3A_83 : vector<16xf32>
      %add3A_95 = arith.constant 9.99999996E-13 : f32
      %add3A_96 = vector.broadcast %add3A_95 : f32 to vector<16xf32>
      %add3A_97 = arith.addf %sub3A, %add3A_96 : vector<16xf32>
      %div3A = arith.divf %get3A_87, %add3A_97 : vector<16xf32>
      %swap3A_98 = arith.index_cast %mul3A_41 : i32 to index
      %swap3A_99 = tpu.vector_load %arg22[%swap3A_98] {strides = array<i32>} : memref<832xf32, #tpu.memory_space<vmem>>, vector<16xf32>,
      tpu.vector_store %arg22[%swap3A_98], %div3A {strides = array<i32>} : memref<832xf32, #tpu.memory_space<vmem>>, vector<16xf32>,
      %sub3A_100 = arith.subf %max3A_80, %min3A_78 : vector<16xf32>
      %add3A_101 = arith.constant 9.99999996E-13 : f32
      %add3A_102 = vector.broadcast %add3A_101 : f32 to vector<16xf32>
      %add3A_103 = arith.addf %sub3A_100, %add3A_102 : vector<16xf32>
      %div3A_104 = arith.divf %get3A_87, %add3A_103 : vector<16xf32>
      %swap3A_105 = arith.index_cast %mul3A_41 : i32 to index
      %swap3A_106 = tpu.vector_load %arg23[%swap3A_105] {strides = array<i32>} : memref<832xf32, #tpu.memory_space<vmem>>, vector<16xf32>,
      tpu.vector_store %arg23[%swap3A_105], %div3A_104 {strides = array<i32>} : memref<832xf32, #tpu.memory_space<vmem>>, vector<16xf32>,
    }
    %scan3A_36 = arith.constant 52 : i32
    %mul3A_37 = arith.constant 832 : i32
    %mul3A_38 = arith.muli %add3A, %mul3A_37 : i32
    "tpu.region"() ({
      %run_scoped3A = tpu.sem_alloc : memref<!tpu.dma_semaphore, #tpu.memory_space<semaphore_mem>>
      %dma_start3A = tpu.memref_slice %arg5[%mul3A_38] : memref<26624xf32, #tpu.memory_space<hbm>> -> memref<832xf32, #tpu.memory_space<hbm>>
      %dma_start3A_39 = tpu.memref_slice %arg5[%mul3A_38] : memref<26624xf32, #tpu.memory_space<hbm>> -> memref<832xf32, #tpu.memory_space<hbm>>
      tpu.enqueue_dma source(%arg18 : memref<832xf32, #tpu.memory_space<vmem>>) target(%dma_start3A_39 : memref<832xf32, #tpu.memory_space<hbm>>) target_semaphore(%run_scoped3A : memref<!tpu.dma_semaphore, #tpu.memory_space<semaphore_mem>>)
      %dma_wait3A = tpu.memref_slice %arg5[%mul3A_38] : memref<26624xf32, #tpu.memory_space<hbm>> -> memref<832xf32, #tpu.memory_space<hbm>>
      %dma_wait3A_40 = tpu.memref_slice %arg5[%mul3A_38] : memref<26624xf32, #tpu.memory_space<hbm>> -> memref<832xf32, #tpu.memory_space<hbm>>
      tpu.wait_dma2 semaphore(%run_scoped3A : memref<!tpu.dma_semaphore, #tpu.memory_space<semaphore_mem>>) src(%arg18 : memref<832xf32, #tpu.memory_space<vmem>>) dst(%dma_wait3A_40 : memref<832xf32, #tpu.memory_space<hbm>>)
      tpu.yield
    }) : () -> ()
    "tpu.region"() ({
      %run_scoped3A = tpu.sem_alloc : memref<!tpu.dma_semaphore, #tpu.memory_space<semaphore_mem>>
      %dma_start3A = tpu.memref_slice %arg6[%mul3A_38] : memref<26624xf32, #tpu.memory_space<hbm>> -> memref<832xf32, #tpu.memory_space<hbm>>
      %dma_start3A_39 = tpu.memref_slice %arg6[%mul3A_38] : memref<26624xf32, #tpu.memory_space<hbm>> -> memref<832xf32, #tpu.memory_space<hbm>>
      tpu.enqueue_dma source(%arg19 : memref<832xf32, #tpu.memory_space<vmem>>) target(%dma_start3A_39 : memref<832xf32, #tpu.memory_space<hbm>>) target_semaphore(%run_scoped3A : memref<!tpu.dma_semaphore, #tpu.memory_space<semaphore_mem>>)
      %dma_wait3A = tpu.memref_slice %arg6[%mul3A_38] : memref<26624xf32, #tpu.memory_space<hbm>> -> memref<832xf32, #tpu.memory_space<hbm>>
      %dma_wait3A_40 = tpu.memref_slice %arg6[%mul3A_38] : memref<26624xf32, #tpu.memory_space<hbm>> -> memref<832xf32, #tpu.memory_space<hbm>>
      tpu.wait_dma2 semaphore(%run_scoped3A : memref<!tpu.dma_semaphore, #tpu.memory_space<semaphore_mem>>) src(%arg19 : memref<832xf32, #tpu.memory_space<vmem>>) dst(%dma_wait3A_40 : memref<832xf32, #tpu.memory_space<hbm>>)
      tpu.yield
    }) : () -> ()
    "tpu.region"() ({
      %run_scoped3A = tpu.sem_alloc : memref<!tpu.dma_semaphore, #tpu.memory_space<semaphore_mem>>
      %dma_start3A = tpu.memref_slice %arg7[%mul3A_38] : memref<26624xf32, #tpu.memory_space<hbm>> -> memref<832xf32, #tpu.memory_space<hbm>>
      %dma_start3A_39 = tpu.memref_slice %arg7[%mul3A_38] : memref<26624xf32, #tpu.memory_space<hbm>> -> memref<832xf32, #tpu.memory_space<hbm>>
      tpu.enqueue_dma source(%arg20 : memref<832xf32, #tpu.memory_space<vmem>>) target(%dma_start3A_39 : memref<832xf32, #tpu.memory_space<hbm>>) target_semaphore(%run_scoped3A : memref<!tpu.dma_semaphore, #tpu.memory_space<semaphore_mem>>)
      %dma_wait3A = tpu.memref_slice %arg7[%mul3A_38] : memref<26624xf32, #tpu.memory_space<hbm>> -> memref<832xf32, #tpu.memory_space<hbm>>
      %dma_wait3A_40 = tpu.memref_slice %arg7[%mul3A_38] : memref<26624xf32, #tpu.memory_space<hbm>> -> memref<832xf32, #tpu.memory_space<hbm>>
      tpu.wait_dma2 semaphore(%run_scoped3A : memref<!tpu.dma_semaphore, #tpu.memory_space<semaphore_mem>>) src(%arg20 : memref<832xf32, #tpu.memory_space<vmem>>) dst(%dma_wait3A_40 : memref<832xf32, #tpu.memory_space<hbm>>)
      tpu.yield
    }) : () -> ()
    "tpu.region"() ({
      %run_scoped3A = tpu.sem_alloc : memref<!tpu.dma_semaphore, #tpu.memory_space<semaphore_mem>>
      %dma_start3A = tpu.memref_slice %arg8[%mul3A_38] : memref<26624xf32, #tpu.memory_space<hbm>> -> memref<832xf32, #tpu.memory_space<hbm>>
      %dma_start3A_39 = tpu.memref_slice %arg8[%mul3A_38] : memref<26624xf32, #tpu.memory_space<hbm>> -> memref<832xf32, #tpu.memory_space<hbm>>
      tpu.enqueue_dma source(%arg21 : memref<832xf32, #tpu.memory_space<vmem>>) target(%dma_start3A_39 : memref<832xf32, #tpu.memory_space<hbm>>) target_semaphore(%run_scoped3A : memref<!tpu.dma_semaphore, #tpu.memory_space<semaphore_mem>>)
      %dma_wait3A = tpu.memref_slice %arg8[%mul3A_38] : memref<26624xf32, #tpu.memory_space<hbm>> -> memref<832xf32, #tpu.memory_space<hbm>>
      %dma_wait3A_40 = tpu.memref_slice %arg8[%mul3A_38] : memref<26624xf32, #tpu.memory_space<hbm>> -> memref<832xf32, #tpu.memory_space<hbm>>
      tpu.wait_dma2 semaphore(%run_scoped3A : memref<!tpu.dma_semaphore, #tpu.memory_space<semaphore_mem>>) src(%arg21 : memref<832xf32, #tpu.memory_space<vmem>>) dst(%dma_wait3A_40 : memref<832xf32, #tpu.memory_space<hbm>>)
      tpu.yield
    }) : () -> ()
    "tpu.region"() ({
      %run_scoped3A = tpu.sem_alloc : memref<!tpu.dma_semaphore, #tpu.memory_space<semaphore_mem>>
      %dma_start3A = tpu.memref_slice %arg9[%mul3A_38] : memref<26624xf32, #tpu.memory_space<hbm>> -> memref<832xf32, #tpu.memory_space<hbm>>
      %dma_start3A_39 = tpu.memref_slice %arg9[%mul3A_38] : memref<26624xf32, #tpu.memory_space<hbm>> -> memref<832xf32, #tpu.memory_space<hbm>>
      tpu.enqueue_dma source(%arg22 : memref<832xf32, #tpu.memory_space<vmem>>) target(%dma_start3A_39 : memref<832xf32, #tpu.memory_space<hbm>>) target_semaphore(%run_scoped3A : memref<!tpu.dma_semaphore, #tpu.memory_space<semaphore_mem>>)
      %dma_wait3A = tpu.memref_slice %arg9[%mul3A_38] : memref<26624xf32, #tpu.memory_space<hbm>> -> memref<832xf32, #tpu.memory_space<hbm>>
      %dma_wait3A_40 = tpu.memref_slice %arg9[%mul3A_38] : memref<26624xf32, #tpu.memory_space<hbm>> -> memref<832xf32, #tpu.memory_space<hbm>>
      tpu.wait_dma2 semaphore(%run_scoped3A : memref<!tpu.dma_semaphore, #tpu.memory_space<semaphore_mem>>) src(%arg22 : memref<832xf32, #tpu.memory_space<vmem>>) dst(%dma_wait3A_40 : memref<832xf32, #tpu.memory_space<hbm>>)
      tpu.yield
    }) : () -> ()
    "tpu.region"() ({
      %run_scoped3A = tpu.sem_alloc : memref<!tpu.dma_semaphore, #tpu.memory_space<semaphore_mem>>
      %dma_start3A = tpu.memref_slice %arg10[%mul3A_38] : memref<26624xf32, #tpu.memory_space<hbm>> -> memref<832xf32, #tpu.memory_space<hbm>>
      %dma_start3A_39 = tpu.memref_slice %arg10[%mul3A_38] : memref<26624xf32, #tpu.memory_space<hbm>> -> memref<832xf32, #tpu.memory_space<hbm>>
      tpu.enqueue_dma source(%arg23 : memref<832xf32, #tpu.memory_space<vmem>>) target(%dma_start3A_39 : memref<832xf32, #tpu.memory_space<hbm>>) target_semaphore(%run_scoped3A : memref<!tpu.dma_semaphore, #tpu.memory_space<semaphore_mem>>)
      %dma_wait3A = tpu.memref_slice %arg10[%mul3A_38] : memref<26624xf32, #tpu.memory_space<hbm>> -> memref<832xf32, #tpu.memory_space<hbm>>
      %dma_wait3A_40 = tpu.memref_slice %arg10[%mul3A_38] : memref<26624xf32, #tpu.memory_space<hbm>> -> memref<832xf32, #tpu.memory_space<hbm>>
      tpu.wait_dma2 semaphore(%run_scoped3A : memref<!tpu.dma_semaphore, #tpu.memory_space<semaphore_mem>>) src(%arg23 : memref<832xf32, #tpu.memory_space<vmem>>) dst(%dma_wait3A_40 : memref<832xf32, #tpu.memory_space<hbm>>)
      tpu.yield
    }) : () -> ()
    return
  }
}

#map = affine_map<(d0, d1) -> (0)>
module attributes {stable_mosaic.version = 14 : i64} {
  func.func @_sc_bbox_body(%arg0: i32, %arg1: i32, %arg2: memref<400000xf32, #tpu.memory_space<hbm>>, %arg3: memref<212992xi32, #tpu.memory_space<hbm>>, %arg4: memref<53248xf32, #tpu.memory_space<hbm>>, %arg5: memref<26624xf32, #tpu.memory_space<hbm>>, %arg6: memref<26624xf32, #tpu.memory_space<hbm>>, %arg7: memref<26624xf32, #tpu.memory_space<hbm>>, %arg8: memref<26624xf32, #tpu.memory_space<hbm>>, %arg9: memref<26624xf32, #tpu.memory_space<hbm>>, %arg10: memref<26624xf32, #tpu.memory_space<hbm>>, %arg11: memref<200000xf32, #tpu.memory_space<vmem_shared>>, %arg12: memref<200000xf32, #tpu.memory_space<vmem_shared>>, %arg13: memref<25000xf32, #tpu.memory_space<vmem>>, %arg14: memref<3328xi32, #tpu.memory_space<vmem>>, %arg15: memref<3328xf32, #tpu.memory_space<vmem>>, %arg16: memref<3328xf32, #tpu.memory_space<vmem>>, %arg17: memref<832xf32, #tpu.memory_space<vmem>>, %arg18: memref<832xf32, #tpu.memory_space<vmem>>, %arg19: memref<832xf32, #tpu.memory_space<vmem>>, %arg20: memref<832xf32, #tpu.memory_space<vmem>>, %arg21: memref<832xf32, #tpu.memory_space<vmem>>, %arg22: memref<832xf32, #tpu.memory_space<vmem>>, %arg23: memref<832xf32, #tpu.memory_space<vmem>>, %arg24: memref<!tpu.dma_semaphore, #tpu.memory_space<semaphore_mem>>) attributes {dimension_semantics = [#tpu.dimension_semantics<core_parallel>, #tpu.dimension_semantics<subcore_parallel>], iteration_bounds = array<i64: 2, 16>, scalar_prefetch = 0 : i64, scratch_operands = 14 : i64, tpu.core_type = #tpu.core_type<sc_vector_subcore>, window_params = [{transform_indices = #map}, {transform_indices = #map}, {transform_indices = #map}, {transform_indices = #map}, {transform_indices = #map}, {transform_indices = #map}, {transform_indices = #map}, {transform_indices = #map}, {transform_indices = #map}]} {
    %mul3A = arith.constant 2 : i32
    %mul3A_0 = arith.muli %arg1, %mul3A : i32
    %add3A = arith.addi %mul3A_0, %arg0 : i32
    %lt3A = arith.constant 8 : i32
    %lt3A_1 = arith.cmpi slt, %arg1, %lt3A : i32
    %convert_element_type3A = arith.extui %lt3A_1 : i1 to i32
    %cond3A = arith.constant 0 : i32
    %cond3A_2 = arith.cmpi ne, %convert_element_type3A, %cond3A : i32
    scf.if %cond3A_2 {
      %mul3A_39 = arith.constant 25000 : i32
      %mul3A_40 = arith.muli %arg1, %mul3A_39 : i32
      "tpu.region"() ({
        %run_scoped3A = tpu.sem_alloc : memref<!tpu.dma_semaphore, #tpu.memory_space<semaphore_mem>>
        %dma_start3A = tpu.memref_slice %arg2[%mul3A_40] : memref<400000xf32, #tpu.memory_space<hbm>> -> memref<25000xf32, #tpu.memory_space<hbm>>
        %dma_start3A_41 = tpu.memref_slice %arg2[%mul3A_40] : memref<400000xf32, #tpu.memory_space<hbm>> -> memref<25000xf32, #tpu.memory_space<hbm>>
        tpu.enqueue_dma source(%dma_start3A_41 : memref<25000xf32, #tpu.memory_space<hbm>>) target(%arg13 : memref<25000xf32, #tpu.memory_space<vmem>>) target_semaphore(%run_scoped3A : memref<!tpu.dma_semaphore, #tpu.memory_space<semaphore_mem>>)
        %dma_wait3A = tpu.memref_slice %arg2[%mul3A_40] : memref<400000xf32, #tpu.memory_space<hbm>> -> memref<25000xf32, #tpu.memory_space<hbm>>
        %dma_wait3A_42 = tpu.memref_slice %arg2[%mul3A_40] : memref<400000xf32, #tpu.memory_space<hbm>> -> memref<25000xf32, #tpu.memory_space<hbm>>
        tpu.wait_dma2 semaphore(%run_scoped3A : memref<!tpu.dma_semaphore, #tpu.memory_space<semaphore_mem>>) src(%dma_wait3A_42 : memref<25000xf32, #tpu.memory_space<hbm>>) dst(%arg13 : memref<25000xf32, #tpu.memory_space<vmem>>)
        tpu.yield
      }) : () -> ()
      "tpu.region"() ({
        %run_scoped3A = tpu.sem_alloc : memref<!tpu.dma_semaphore, #tpu.memory_space<semaphore_mem>>
        %dma_start3A = tpu.memref_slice %arg11[%mul3A_40] : memref<200000xf32, #tpu.memory_space<vmem_shared>> -> memref<25000xf32, #tpu.memory_space<vmem_shared>>
        %dma_start3A_41 = tpu.memref_slice %arg11[%mul3A_40] : memref<200000xf32, #tpu.memory_space<vmem_shared>> -> memref<25000xf32, #tpu.memory_space<vmem_shared>>
        tpu.enqueue_dma source(%arg13 : memref<25000xf32, #tpu.memory_space<vmem>>) target(%dma_start3A_41 : memref<25000xf32, #tpu.memory_space<vmem_shared>>) target_semaphore(%run_scoped3A : memref<!tpu.dma_semaphore, #tpu.memory_space<semaphore_mem>>)
        %dma_wait3A = tpu.memref_slice %arg11[%mul3A_40] : memref<200000xf32, #tpu.memory_space<vmem_shared>> -> memref<25000xf32, #tpu.memory_space<vmem_shared>>
        %dma_wait3A_42 = tpu.memref_slice %arg11[%mul3A_40] : memref<200000xf32, #tpu.memory_space<vmem_shared>> -> memref<25000xf32, #tpu.memory_space<vmem_shared>>
        tpu.wait_dma2 semaphore(%run_scoped3A : memref<!tpu.dma_semaphore, #tpu.memory_space<semaphore_mem>>) src(%arg13 : memref<25000xf32, #tpu.memory_space<vmem>>) dst(%dma_wait3A_42 : memref<25000xf32, #tpu.memory_space<vmem_shared>>)
        tpu.yield
      }) : () -> ()
    } else {
    }
    %ge3A = arith.constant 8 : i32
    %ge3A_3 = arith.cmpi sge, %arg1, %ge3A : i32
    %convert_element_type3A_4 = arith.extui %ge3A_3 : i1 to i32
    %cond3A_5 = arith.constant 0 : i32
    %cond3A_6 = arith.cmpi ne, %convert_element_type3A_4, %cond3A_5 : i32
    scf.if %cond3A_6 {
      %sub3A = arith.constant 8 : i32
      %sub3A_39 = arith.subi %arg1, %sub3A : i32
      %mul3A_40 = arith.constant 25000 : i32
      %mul3A_41 = arith.muli %sub3A_39, %mul3A_40 : i32
      %add3A_42 = arith.constant 200000 : i32
      %add3A_43 = arith.addi %add3A_42, %mul3A_41 : i32
      "tpu.region"() ({
        %run_scoped3A = tpu.sem_alloc : memref<!tpu.dma_semaphore, #tpu.memory_space<semaphore_mem>>
        %dma_start3A = tpu.memref_slice %arg2[%add3A_43] : memref<400000xf32, #tpu.memory_space<hbm>> -> memref<25000xf32, #tpu.memory_space<hbm>>
        %dma_start3A_44 = tpu.memref_slice %arg2[%add3A_43] : memref<400000xf32, #tpu.memory_space<hbm>> -> memref<25000xf32, #tpu.memory_space<hbm>>
        tpu.enqueue_dma source(%dma_start3A_44 : memref<25000xf32, #tpu.memory_space<hbm>>) target(%arg13 : memref<25000xf32, #tpu.memory_space<vmem>>) target_semaphore(%run_scoped3A : memref<!tpu.dma_semaphore, #tpu.memory_space<semaphore_mem>>)
        %dma_wait3A = tpu.memref_slice %arg2[%add3A_43] : memref<400000xf32, #tpu.memory_space<hbm>> -> memref<25000xf32, #tpu.memory_space<hbm>>
        %dma_wait3A_45 = tpu.memref_slice %arg2[%add3A_43] : memref<400000xf32, #tpu.memory_space<hbm>> -> memref<25000xf32, #tpu.memory_space<hbm>>
        tpu.wait_dma2 semaphore(%run_scoped3A : memref<!tpu.dma_semaphore, #tpu.memory_space<semaphore_mem>>) src(%dma_wait3A_45 : memref<25000xf32, #tpu.memory_space<hbm>>) dst(%arg13 : memref<25000xf32, #tpu.memory_space<vmem>>)
        tpu.yield
      }) : () -> ()
      "tpu.region"() ({
        %run_scoped3A = tpu.sem_alloc : memref<!tpu.dma_semaphore, #tpu.memory_space<semaphore_mem>>
        %dma_start3A = tpu.memref_slice %arg12[%mul3A_41] : memref<200000xf32, #tpu.memory_space<vmem_shared>> -> memref<25000xf32, #tpu.memory_space<vmem_shared>>
        %dma_start3A_44 = tpu.memref_slice %arg12[%mul3A_41] : memref<200000xf32, #tpu.memory_space<vmem_shared>> -> memref<25000xf32, #tpu.memory_space<vmem_shared>>
        tpu.enqueue_dma source(%arg13 : memref<25000xf32, #tpu.memory_space<vmem>>) target(%dma_start3A_44 : memref<25000xf32, #tpu.memory_space<vmem_shared>>) target_semaphore(%run_scoped3A : memref<!tpu.dma_semaphore, #tpu.memory_space<semaphore_mem>>)
        %dma_wait3A = tpu.memref_slice %arg12[%mul3A_41] : memref<200000xf32, #tpu.memory_space<vmem_shared>> -> memref<25000xf32, #tpu.memory_space<vmem_shared>>
        %dma_wait3A_45 = tpu.memref_slice %arg12[%mul3A_41] : memref<200000xf32, #tpu.memory_space<vmem_shared>> -> memref<25000xf32, #tpu.memory_space<vmem_shared>>
        tpu.wait_dma2 semaphore(%run_scoped3A : memref<!tpu.dma_semaphore, #tpu.memory_space<semaphore_mem>>) src(%arg13 : memref<25000xf32, #tpu.memory_space<vmem>>) dst(%dma_wait3A_45 : memref<25000xf32, #tpu.memory_space<vmem_shared>>)
        tpu.yield
      }) : () -> ()
    } else {
    }
    %mul3A_7 = arith.constant 832 : i32
    %mul3A_8 = arith.muli %add3A, %mul3A_7 : i32
    %add3A_9 = arith.constant 26624 : i32
    %add3A_10 = arith.addi %add3A_9, %mul3A_8 : i32
    %mul3A_11 = arith.constant 4 : i32
    %mul3A_12 = arith.muli %add3A_10, %mul3A_11 : i32
    "tpu.region"() ({
      %run_scoped3A = tpu.sem_alloc : memref<!tpu.dma_semaphore, #tpu.memory_space<semaphore_mem>>
      %dma_start3A = tpu.memref_slice %arg3[%mul3A_12] : memref<212992xi32, #tpu.memory_space<hbm>> -> memref<3328xi32, #tpu.memory_space<hbm>>
      %dma_start3A_39 = tpu.memref_slice %arg3[%mul3A_12] : memref<212992xi32, #tpu.memory_space<hbm>> -> memref<3328xi32, #tpu.memory_space<hbm>>
      tpu.enqueue_dma source(%dma_start3A_39 : memref<3328xi32, #tpu.memory_space<hbm>>) target(%arg14 : memref<3328xi32, #tpu.memory_space<vmem>>) target_semaphore(%run_scoped3A : memref<!tpu.dma_semaphore, #tpu.memory_space<semaphore_mem>>)
      %dma_wait3A = tpu.memref_slice %arg3[%mul3A_12] : memref<212992xi32, #tpu.memory_space<hbm>> -> memref<3328xi32, #tpu.memory_space<hbm>>
      %dma_wait3A_40 = tpu.memref_slice %arg3[%mul3A_12] : memref<212992xi32, #tpu.memory_space<hbm>> -> memref<3328xi32, #tpu.memory_space<hbm>>
      tpu.wait_dma2 semaphore(%run_scoped3A : memref<!tpu.dma_semaphore, #tpu.memory_space<semaphore_mem>>) src(%dma_wait3A_40 : memref<3328xi32, #tpu.memory_space<hbm>>) dst(%arg14 : memref<3328xi32, #tpu.memory_space<vmem>>)
      tpu.yield
    }) : () -> ()
    %mul3A_13 = arith.constant 832 : i32
    %mul3A_14 = arith.muli %add3A, %mul3A_13 : i32
    %add3A_15 = arith.constant 26624 : i32
    %add3A_16 = arith.addi %add3A_15, %mul3A_14 : i32
    "tpu.region"() ({
      %run_scoped3A = tpu.sem_alloc : memref<!tpu.dma_semaphore, #tpu.memory_space<semaphore_mem>>
      %dma_start3A = tpu.memref_slice %arg4[%add3A_16] : memref<53248xf32, #tpu.memory_space<hbm>> -> memref<832xf32, #tpu.memory_space<hbm>>
      %dma_start3A_39 = tpu.memref_slice %arg4[%add3A_16] : memref<53248xf32, #tpu.memory_space<hbm>> -> memref<832xf32, #tpu.memory_space<hbm>>
      tpu.enqueue_dma source(%dma_start3A_39 : memref<832xf32, #tpu.memory_space<hbm>>) target(%arg17 : memref<832xf32, #tpu.memory_space<vmem>>) target_semaphore(%run_scoped3A : memref<!tpu.dma_semaphore, #tpu.memory_space<semaphore_mem>>)
      %dma_wait3A = tpu.memref_slice %arg4[%add3A_16] : memref<53248xf32, #tpu.memory_space<hbm>> -> memref<832xf32, #tpu.memory_space<hbm>>
      %dma_wait3A_40 = tpu.memref_slice %arg4[%add3A_16] : memref<53248xf32, #tpu.memory_space<hbm>> -> memref<832xf32, #tpu.memory_space<hbm>>
      tpu.wait_dma2 semaphore(%run_scoped3A : memref<!tpu.dma_semaphore, #tpu.memory_space<semaphore_mem>>) src(%dma_wait3A_40 : memref<832xf32, #tpu.memory_space<hbm>>) dst(%arg17 : memref<832xf32, #tpu.memory_space<vmem>>)
      tpu.yield
    }) : () -> ()
    %barrier3A = arith.constant 0 : index
    tpu.barrier barrier_id(%barrier3A)
    %scan3A = arith.constant 0 : i32
    %scan3A_17 = arith.constant 0 : i32
    %scan3A_18 = arith.constant 26 : i32
    %scan3A_19 = arith.addi %scan3A_17, %scan3A_18 : i32
    %scan3A_20 = arith.constant 1 : i32
    scf.for %scan3A_39 = %scan3A_17 to %scan3A_19 step %scan3A_20  : i32 {
      %mul3A_40 = arith.constant 128 : i32
      %mul3A_41 = arith.muli %scan3A_39, %mul3A_40 : i32
      %dma_start3A = tpu.memref_slice %arg15[%mul3A_41] : memref<3328xf32, #tpu.memory_space<vmem>> -> memref<128xf32, #tpu.memory_space<vmem>>
      %dma_start3A_42 = tpu.memref_slice %arg14[%mul3A_41] : memref<3328xi32, #tpu.memory_space<vmem>> -> memref<128xi32, #tpu.memory_space<vmem>>
      %dma_start3A_43 = arith.constant 0 : i32
      %dma_start3A_44 = tpu.memref_slice %arg11[%dma_start3A_43] : memref<200000xf32, #tpu.memory_space<vmem_shared>> -> memref<200000xf32, #tpu.memory_space<vmem_shared>>
      tpu.enqueue_indirect_dma source(%dma_start3A_44 : memref<200000xf32, #tpu.memory_space<vmem_shared>>) target(%dma_start3A : memref<128xf32, #tpu.memory_space<vmem>>) offsets(%dma_start3A_42 : memref<128xi32, #tpu.memory_space<vmem>>) semaphore(%arg24 : memref<!tpu.dma_semaphore, #tpu.memory_space<semaphore_mem>>)
      %dma_start3A_45 = tpu.memref_slice %arg16[%mul3A_41] : memref<3328xf32, #tpu.memory_space<vmem>> -> memref<128xf32, #tpu.memory_space<vmem>>
      %dma_start3A_46 = tpu.memref_slice %arg14[%mul3A_41] : memref<3328xi32, #tpu.memory_space<vmem>> -> memref<128xi32, #tpu.memory_space<vmem>>
      %dma_start3A_47 = arith.constant 0 : i32
      %dma_start3A_48 = tpu.memref_slice %arg12[%dma_start3A_47] : memref<200000xf32, #tpu.memory_space<vmem_shared>> -> memref<200000xf32, #tpu.memory_space<vmem_shared>>
      tpu.enqueue_indirect_dma source(%dma_start3A_48 : memref<200000xf32, #tpu.memory_space<vmem_shared>>) target(%dma_start3A_45 : memref<128xf32, #tpu.memory_space<vmem>>) offsets(%dma_start3A_46 : memref<128xi32, #tpu.memory_space<vmem>>) semaphore(%arg24 : memref<!tpu.dma_semaphore, #tpu.memory_space<semaphore_mem>>)
    }
    %scan3A_21 = arith.constant 26 : i32
    %scan3A_22 = arith.constant 0 : i32
    %scan3A_23 = arith.constant 0 : i32
    %scan3A_24 = arith.constant 26 : i32
    %scan3A_25 = arith.addi %scan3A_23, %scan3A_24 : i32
    %scan3A_26 = arith.constant 1 : i32
    scf.for %scan3A_39 = %scan3A_23 to %scan3A_25 step %scan3A_26  : i32 {
      %mul3A_40 = arith.constant 128 : i32
      %mul3A_41 = arith.muli %scan3A_39, %mul3A_40 : i32
      %dma_wait3A = tpu.memref_slice %arg15[%mul3A_41] : memref<3328xf32, #tpu.memory_space<vmem>> -> memref<128xf32, #tpu.memory_space<vmem>>
      %dma_wait3A_42 = tpu.memref_slice %arg14[%mul3A_41] : memref<3328xi32, #tpu.memory_space<vmem>> -> memref<128xi32, #tpu.memory_space<vmem>>
      %dma_wait3A_43 = arith.constant 0 : i32
      %dma_wait3A_44 = tpu.memref_slice %arg11[%dma_wait3A_43] : memref<200000xf32, #tpu.memory_space<vmem_shared>> -> memref<200000xf32, #tpu.memory_space<vmem_shared>>
      tpu.wait_indirect_dma semaphore(%arg24 : memref<!tpu.dma_semaphore, #tpu.memory_space<semaphore_mem>>) src(%dma_wait3A_44 : memref<200000xf32, #tpu.memory_space<vmem_shared>>) dst(%dma_wait3A : memref<128xf32, #tpu.memory_space<vmem>>)
      %dma_wait3A_45 = tpu.memref_slice %arg16[%mul3A_41] : memref<3328xf32, #tpu.memory_space<vmem>> -> memref<128xf32, #tpu.memory_space<vmem>>
      %dma_wait3A_46 = tpu.memref_slice %arg14[%mul3A_41] : memref<3328xi32, #tpu.memory_space<vmem>> -> memref<128xi32, #tpu.memory_space<vmem>>
      %dma_wait3A_47 = arith.constant 0 : i32
      %dma_wait3A_48 = tpu.memref_slice %arg12[%dma_wait3A_47] : memref<200000xf32, #tpu.memory_space<vmem_shared>> -> memref<200000xf32, #tpu.memory_space<vmem_shared>>
      tpu.wait_indirect_dma semaphore(%arg24 : memref<!tpu.dma_semaphore, #tpu.memory_space<semaphore_mem>>) src(%dma_wait3A_48 : memref<200000xf32, #tpu.memory_space<vmem_shared>>) dst(%dma_wait3A_45 : memref<128xf32, #tpu.memory_space<vmem>>)
    }
    %scan3A_27 = arith.constant 26 : i32
    %iota3A = tpu.iota {dimensions = array<i32: 0>} : vector<16xi32>
    %mul3A_28 = arith.constant 4 : i32
    %mul3A_29 = vector.broadcast %mul3A_28 : i32 to vector<16xi32>
    %mul3A_30 = arith.muli %iota3A, %mul3A_29 : vector<16xi32>
    %scan3A_31 = arith.constant 0 : i32
    %scan3A_32 = arith.constant 0 : i32
    %scan3A_33 = arith.constant 52 : i32
    %scan3A_34 = arith.addi %scan3A_32, %scan3A_33 : i32
    %scan3A_35 = arith.constant 1 : i32
    scf.for %scan3A_39 = %scan3A_32 to %scan3A_34 step %scan3A_35  : i32 {
      %mul3A_40 = arith.constant 16 : i32
      %mul3A_41 = arith.muli %scan3A_39, %mul3A_40 : i32
      %mul3A_42 = arith.constant 4 : i32
      %mul3A_43 = arith.muli %mul3A_41, %mul3A_42 : i32
      %add3A_44 = vector.broadcast %mul3A_43 : i32 to vector<16xi32>
      %add3A_45 = arith.addi %mul3A_30, %add3A_44 : vector<16xi32>
      %add3A_46 = arith.constant 0 : i32
      %add3A_47 = vector.broadcast %add3A_46 : i32 to vector<16xi32>
      %add3A_48 = arith.addi %add3A_45, %add3A_47 : vector<16xi32>
      %gather3A = tpu.vector_load_idx %arg15[%add3A_48] : memref<3328xf32, #tpu.memory_space<vmem>>[vector<16xi32>], vector<16xf32>,
      %add3A_49 = arith.constant 1 : i32
      %add3A_50 = vector.broadcast %add3A_49 : i32 to vector<16xi32>
      %add3A_51 = arith.addi %add3A_45, %add3A_50 : vector<16xi32>
      %gather3A_52 = tpu.vector_load_idx %arg15[%add3A_51] : memref<3328xf32, #tpu.memory_space<vmem>>[vector<16xi32>], vector<16xf32>,
      %add3A_53 = arith.constant 2 : i32
      %add3A_54 = vector.broadcast %add3A_53 : i32 to vector<16xi32>
      %add3A_55 = arith.addi %add3A_45, %add3A_54 : vector<16xi32>
      %gather3A_56 = tpu.vector_load_idx %arg15[%add3A_55] : memref<3328xf32, #tpu.memory_space<vmem>>[vector<16xi32>], vector<16xf32>,
      %add3A_57 = arith.constant 3 : i32
      %add3A_58 = vector.broadcast %add3A_57 : i32 to vector<16xi32>
      %add3A_59 = arith.addi %add3A_45, %add3A_58 : vector<16xi32>
      %gather3A_60 = tpu.vector_load_idx %arg15[%add3A_59] : memref<3328xf32, #tpu.memory_space<vmem>>[vector<16xi32>], vector<16xf32>,
      %add3A_61 = arith.constant 0 : i32
      %add3A_62 = vector.broadcast %add3A_61 : i32 to vector<16xi32>
      %add3A_63 = arith.addi %add3A_45, %add3A_62 : vector<16xi32>
      %gather3A_64 = tpu.vector_load_idx %arg16[%add3A_63] : memref<3328xf32, #tpu.memory_space<vmem>>[vector<16xi32>], vector<16xf32>,
      %add3A_65 = arith.constant 1 : i32
      %add3A_66 = vector.broadcast %add3A_65 : i32 to vector<16xi32>
      %add3A_67 = arith.addi %add3A_45, %add3A_66 : vector<16xi32>
      %gather3A_68 = tpu.vector_load_idx %arg16[%add3A_67] : memref<3328xf32, #tpu.memory_space<vmem>>[vector<16xi32>], vector<16xf32>,
      %add3A_69 = arith.constant 2 : i32
      %add3A_70 = vector.broadcast %add3A_69 : i32 to vector<16xi32>
      %add3A_71 = arith.addi %add3A_45, %add3A_70 : vector<16xi32>
      %gather3A_72 = tpu.vector_load_idx %arg16[%add3A_71] : memref<3328xf32, #tpu.memory_space<vmem>>[vector<16xi32>], vector<16xf32>,
      %add3A_73 = arith.constant 3 : i32
      %add3A_74 = vector.broadcast %add3A_73 : i32 to vector<16xi32>
      %add3A_75 = arith.addi %add3A_45, %add3A_74 : vector<16xi32>
      %gather3A_76 = tpu.vector_load_idx %arg16[%add3A_75] : memref<3328xf32, #tpu.memory_space<vmem>>[vector<16xi32>], vector<16xf32>,
      %min3A = arith.minimumf %gather3A, %gather3A_52 : vector<16xf32>
      %min3A_77 = arith.minimumf %gather3A_56, %gather3A_60 : vector<16xf32>
      %min3A_78 = arith.minimumf %min3A, %min3A_77 : vector<16xf32>
      %max3A = arith.maximumf %gather3A, %gather3A_52 : vector<16xf32>
      %max3A_79 = arith.maximumf %gather3A_56, %gather3A_60 : vector<16xf32>
      %max3A_80 = arith.maximumf %max3A, %max3A_79 : vector<16xf32>
      %min3A_81 = arith.minimumf %gather3A_64, %gather3A_68 : vector<16xf32>
      %min3A_82 = arith.minimumf %gather3A_72, %gather3A_76 : vector<16xf32>
      %min3A_83 = arith.minimumf %min3A_81, %min3A_82 : vector<16xf32>
      %max3A_84 = arith.maximumf %gather3A_64, %gather3A_68 : vector<16xf32>
      %max3A_85 = arith.maximumf %gather3A_72, %gather3A_76 : vector<16xf32>
      %max3A_86 = arith.maximumf %max3A_84, %max3A_85 : vector<16xf32>
      %get3A = arith.index_cast %mul3A_41 : i32 to index
      %get3A_87 = tpu.vector_load %arg17[%get3A] {strides = array<i32>} : memref<832xf32, #tpu.memory_space<vmem>>, vector<16xf32>,
      %swap3A = arith.index_cast %mul3A_41 : i32 to index
      %swap3A_88 = tpu.vector_load %arg18[%swap3A] {strides = array<i32>} : memref<832xf32, #tpu.memory_space<vmem>>, vector<16xf32>,
      tpu.vector_store %arg18[%swap3A], %min3A_78 {strides = array<i32>} : memref<832xf32, #tpu.memory_space<vmem>>, vector<16xf32>,
      %swap3A_89 = arith.index_cast %mul3A_41 : i32 to index
      %swap3A_90 = tpu.vector_load %arg19[%swap3A_89] {strides = array<i32>} : memref<832xf32, #tpu.memory_space<vmem>>, vector<16xf32>,
      tpu.vector_store %arg19[%swap3A_89], %max3A_80 {strides = array<i32>} : memref<832xf32, #tpu.memory_space<vmem>>, vector<16xf32>,
      %swap3A_91 = arith.index_cast %mul3A_41 : i32 to index
      %swap3A_92 = tpu.vector_load %arg20[%swap3A_91] {strides = array<i32>} : memref<832xf32, #tpu.memory_space<vmem>>, vector<16xf32>,
      tpu.vector_store %arg20[%swap3A_91], %min3A_83 {strides = array<i32>} : memref<832xf32, #tpu.memory_space<vmem>>, vector<16xf32>,
      %swap3A_93 = arith.index_cast %mul3A_41 : i32 to index
      %swap3A_94 = tpu.vector_load %arg21[%swap3A_93] {strides = array<i32>} : memref<832xf32, #tpu.memory_space<vmem>>, vector<16xf32>,
      tpu.vector_store %arg21[%swap3A_93], %max3A_86 {strides = array<i32>} : memref<832xf32, #tpu.memory_space<vmem>>, vector<16xf32>,
      %sub3A = arith.subf %max3A_86, %min3A_83 : vector<16xf32>
      %add3A_95 = arith.constant 9.99999996E-13 : f32
      %add3A_96 = vector.broadcast %add3A_95 : f32 to vector<16xf32>
      %add3A_97 = arith.addf %sub3A, %add3A_96 : vector<16xf32>
      %div3A = arith.divf %get3A_87, %add3A_97 : vector<16xf32>
      %swap3A_98 = arith.index_cast %mul3A_41 : i32 to index
      %swap3A_99 = tpu.vector_load %arg22[%swap3A_98] {strides = array<i32>} : memref<832xf32, #tpu.memory_space<vmem>>, vector<16xf32>,
      tpu.vector_store %arg22[%swap3A_98], %div3A {strides = array<i32>} : memref<832xf32, #tpu.memory_space<vmem>>, vector<16xf32>,
      %sub3A_100 = arith.subf %max3A_80, %min3A_78 : vector<16xf32>
      %add3A_101 = arith.constant 9.99999996E-13 : f32
      %add3A_102 = vector.broadcast %add3A_101 : f32 to vector<16xf32>
      %add3A_103 = arith.addf %sub3A_100, %add3A_102 : vector<16xf32>
      %div3A_104 = arith.divf %get3A_87, %add3A_103 : vector<16xf32>
      %swap3A_105 = arith.index_cast %mul3A_41 : i32 to index
      %swap3A_106 = tpu.vector_load %arg23[%swap3A_105] {strides = array<i32>} : memref<832xf32, #tpu.memory_space<vmem>>, vector<16xf32>,
      tpu.vector_store %arg23[%swap3A_105], %div3A_104 {strides = array<i32>} : memref<832xf32, #tpu.memory_space<vmem>>, vector<16xf32>,
    }
    %scan3A_36 = arith.constant 52 : i32
    %mul3A_37 = arith.constant 832 : i32
    %mul3A_38 = arith.muli %add3A, %mul3A_37 : i32
    "tpu.region"() ({
      %run_scoped3A = tpu.sem_alloc : memref<!tpu.dma_semaphore, #tpu.memory_space<semaphore_mem>>
      %dma_start3A = tpu.memref_slice %arg5[%mul3A_38] : memref<26624xf32, #tpu.memory_space<hbm>> -> memref<832xf32, #tpu.memory_space<hbm>>
      %dma_start3A_39 = tpu.memref_slice %arg5[%mul3A_38] : memref<26624xf32, #tpu.memory_space<hbm>> -> memref<832xf32, #tpu.memory_space<hbm>>
      tpu.enqueue_dma source(%arg18 : memref<832xf32, #tpu.memory_space<vmem>>) target(%dma_start3A_39 : memref<832xf32, #tpu.memory_space<hbm>>) target_semaphore(%run_scoped3A : memref<!tpu.dma_semaphore, #tpu.memory_space<semaphore_mem>>)
      %dma_wait3A = tpu.memref_slice %arg5[%mul3A_38] : memref<26624xf32, #tpu.memory_space<hbm>> -> memref<832xf32, #tpu.memory_space<hbm>>
      %dma_wait3A_40 = tpu.memref_slice %arg5[%mul3A_38] : memref<26624xf32, #tpu.memory_space<hbm>> -> memref<832xf32, #tpu.memory_space<hbm>>
      tpu.wait_dma2 semaphore(%run_scoped3A : memref<!tpu.dma_semaphore, #tpu.memory_space<semaphore_mem>>) src(%arg18 : memref<832xf32, #tpu.memory_space<vmem>>) dst(%dma_wait3A_40 : memref<832xf32, #tpu.memory_space<hbm>>)
      tpu.yield
    }) : () -> ()
    "tpu.region"() ({
      %run_scoped3A = tpu.sem_alloc : memref<!tpu.dma_semaphore, #tpu.memory_space<semaphore_mem>>
      %dma_start3A = tpu.memref_slice %arg6[%mul3A_38] : memref<26624xf32, #tpu.memory_space<hbm>> -> memref<832xf32, #tpu.memory_space<hbm>>
      %dma_start3A_39 = tpu.memref_slice %arg6[%mul3A_38] : memref<26624xf32, #tpu.memory_space<hbm>> -> memref<832xf32, #tpu.memory_space<hbm>>
      tpu.enqueue_dma source(%arg19 : memref<832xf32, #tpu.memory_space<vmem>>) target(%dma_start3A_39 : memref<832xf32, #tpu.memory_space<hbm>>) target_semaphore(%run_scoped3A : memref<!tpu.dma_semaphore, #tpu.memory_space<semaphore_mem>>)
      %dma_wait3A = tpu.memref_slice %arg6[%mul3A_38] : memref<26624xf32, #tpu.memory_space<hbm>> -> memref<832xf32, #tpu.memory_space<hbm>>
      %dma_wait3A_40 = tpu.memref_slice %arg6[%mul3A_38] : memref<26624xf32, #tpu.memory_space<hbm>> -> memref<832xf32, #tpu.memory_space<hbm>>
      tpu.wait_dma2 semaphore(%run_scoped3A : memref<!tpu.dma_semaphore, #tpu.memory_space<semaphore_mem>>) src(%arg19 : memref<832xf32, #tpu.memory_space<vmem>>) dst(%dma_wait3A_40 : memref<832xf32, #tpu.memory_space<hbm>>)
      tpu.yield
    }) : () -> ()
    "tpu.region"() ({
      %run_scoped3A = tpu.sem_alloc : memref<!tpu.dma_semaphore, #tpu.memory_space<semaphore_mem>>
      %dma_start3A = tpu.memref_slice %arg7[%mul3A_38] : memref<26624xf32, #tpu.memory_space<hbm>> -> memref<832xf32, #tpu.memory_space<hbm>>
      %dma_start3A_39 = tpu.memref_slice %arg7[%mul3A_38] : memref<26624xf32, #tpu.memory_space<hbm>> -> memref<832xf32, #tpu.memory_space<hbm>>
      tpu.enqueue_dma source(%arg20 : memref<832xf32, #tpu.memory_space<vmem>>) target(%dma_start3A_39 : memref<832xf32, #tpu.memory_space<hbm>>) target_semaphore(%run_scoped3A : memref<!tpu.dma_semaphore, #tpu.memory_space<semaphore_mem>>)
      %dma_wait3A = tpu.memref_slice %arg7[%mul3A_38] : memref<26624xf32, #tpu.memory_space<hbm>> -> memref<832xf32, #tpu.memory_space<hbm>>
      %dma_wait3A_40 = tpu.memref_slice %arg7[%mul3A_38] : memref<26624xf32, #tpu.memory_space<hbm>> -> memref<832xf32, #tpu.memory_space<hbm>>
      tpu.wait_dma2 semaphore(%run_scoped3A : memref<!tpu.dma_semaphore, #tpu.memory_space<semaphore_mem>>) src(%arg20 : memref<832xf32, #tpu.memory_space<vmem>>) dst(%dma_wait3A_40 : memref<832xf32, #tpu.memory_space<hbm>>)
      tpu.yield
    }) : () -> ()
    "tpu.region"() ({
      %run_scoped3A = tpu.sem_alloc : memref<!tpu.dma_semaphore, #tpu.memory_space<semaphore_mem>>
      %dma_start3A = tpu.memref_slice %arg8[%mul3A_38] : memref<26624xf32, #tpu.memory_space<hbm>> -> memref<832xf32, #tpu.memory_space<hbm>>
      %dma_start3A_39 = tpu.memref_slice %arg8[%mul3A_38] : memref<26624xf32, #tpu.memory_space<hbm>> -> memref<832xf32, #tpu.memory_space<hbm>>
      tpu.enqueue_dma source(%arg21 : memref<832xf32, #tpu.memory_space<vmem>>) target(%dma_start3A_39 : memref<832xf32, #tpu.memory_space<hbm>>) target_semaphore(%run_scoped3A : memref<!tpu.dma_semaphore, #tpu.memory_space<semaphore_mem>>)
      %dma_wait3A = tpu.memref_slice %arg8[%mul3A_38] : memref<26624xf32, #tpu.memory_space<hbm>> -> memref<832xf32, #tpu.memory_space<hbm>>
      %dma_wait3A_40 = tpu.memref_slice %arg8[%mul3A_38] : memref<26624xf32, #tpu.memory_space<hbm>> -> memref<832xf32, #tpu.memory_space<hbm>>
      tpu.wait_dma2 semaphore(%run_scoped3A : memref<!tpu.dma_semaphore, #tpu.memory_space<semaphore_mem>>) src(%arg21 : memref<832xf32, #tpu.memory_space<vmem>>) dst(%dma_wait3A_40 : memref<832xf32, #tpu.memory_space<hbm>>)
      tpu.yield
    }) : () -> ()
    "tpu.region"() ({
      %run_scoped3A = tpu.sem_alloc : memref<!tpu.dma_semaphore, #tpu.memory_space<semaphore_mem>>
      %dma_start3A = tpu.memref_slice %arg9[%mul3A_38] : memref<26624xf32, #tpu.memory_space<hbm>> -> memref<832xf32, #tpu.memory_space<hbm>>
      %dma_start3A_39 = tpu.memref_slice %arg9[%mul3A_38] : memref<26624xf32, #tpu.memory_space<hbm>> -> memref<832xf32, #tpu.memory_space<hbm>>
      tpu.enqueue_dma source(%arg22 : memref<832xf32, #tpu.memory_space<vmem>>) target(%dma_start3A_39 : memref<832xf32, #tpu.memory_space<hbm>>) target_semaphore(%run_scoped3A : memref<!tpu.dma_semaphore, #tpu.memory_space<semaphore_mem>>)
      %dma_wait3A = tpu.memref_slice %arg9[%mul3A_38] : memref<26624xf32, #tpu.memory_space<hbm>> -> memref<832xf32, #tpu.memory_space<hbm>>
      %dma_wait3A_40 = tpu.memref_slice %arg9[%mul3A_38] : memref<26624xf32, #tpu.memory_space<hbm>> -> memref<832xf32, #tpu.memory_space<hbm>>
      tpu.wait_dma2 semaphore(%run_scoped3A : memref<!tpu.dma_semaphore, #tpu.memory_space<semaphore_mem>>) src(%arg22 : memref<832xf32, #tpu.memory_space<vmem>>) dst(%dma_wait3A_40 : memref<832xf32, #tpu.memory_space<hbm>>)
      tpu.yield
    }) : () -> ()
    "tpu.region"() ({
      %run_scoped3A = tpu.sem_alloc : memref<!tpu.dma_semaphore, #tpu.memory_space<semaphore_mem>>
      %dma_start3A = tpu.memref_slice %arg10[%mul3A_38] : memref<26624xf32, #tpu.memory_space<hbm>> -> memref<832xf32, #tpu.memory_space<hbm>>
      %dma_start3A_39 = tpu.memref_slice %arg10[%mul3A_38] : memref<26624xf32, #tpu.memory_space<hbm>> -> memref<832xf32, #tpu.memory_space<hbm>>
      tpu.enqueue_dma source(%arg23 : memref<832xf32, #tpu.memory_space<vmem>>) target(%dma_start3A_39 : memref<832xf32, #tpu.memory_space<hbm>>) target_semaphore(%run_scoped3A : memref<!tpu.dma_semaphore, #tpu.memory_space<semaphore_mem>>)
      %dma_wait3A = tpu.memref_slice %arg10[%mul3A_38] : memref<26624xf32, #tpu.memory_space<hbm>> -> memref<832xf32, #tpu.memory_space<hbm>>
      %dma_wait3A_40 = tpu.memref_slice %arg10[%mul3A_38] : memref<26624xf32, #tpu.memory_space<hbm>> -> memref<832xf32, #tpu.memory_space<hbm>>
      tpu.wait_dma2 semaphore(%run_scoped3A : memref<!tpu.dma_semaphore, #tpu.memory_space<semaphore_mem>>) src(%arg23 : memref<832xf32, #tpu.memory_space<vmem>>) dst(%dma_wait3A_40 : memref<832xf32, #tpu.memory_space<hbm>>)
      tpu.yield
    }) : () -> ()
    return
  }
}

#map = affine_map<(d0, d1) -> (0)>
module attributes {stable_mosaic.version = 14 : i64} {
  func.func @_sc_inst_body(%arg0: i32, %arg1: i32, %arg2: memref<65536xf32, #tpu.memory_space<hbm>>, %arg3: memref<120000xf32, #tpu.memory_space<hbm>>, %arg4: memref<60000xf32, #tpu.memory_space<hbm>>, %arg5: memref<60000xf32, #tpu.memory_space<hbm>>, %arg6: memref<50000xf32, #tpu.memory_space<hbm>>, %arg7: memref<65536xf32, #tpu.memory_space<vmem>>, %arg8: memref<1600xf32, #tpu.memory_space<vmem>>, %arg9: memref<1600xf32, #tpu.memory_space<vmem>>, %arg10: memref<1600xf32, #tpu.memory_space<vmem>>, %arg11: memref<1600xf32, #tpu.memory_space<vmem>>, %arg12: memref<1600xf32, #tpu.memory_space<vmem>>) attributes {dimension_semantics = [#tpu.dimension_semantics<core_parallel>, #tpu.dimension_semantics<subcore_parallel>], iteration_bounds = array<i64: 2, 16>, scalar_prefetch = 0 : i64, scratch_operands = 6 : i64, tpu.core_type = #tpu.core_type<sc_vector_subcore>, window_params = [{transform_indices = #map}, {transform_indices = #map}, {transform_indices = #map}, {transform_indices = #map}, {transform_indices = #map}]} {
    %mul3A = arith.constant 2 : i32
    %mul3A_0 = arith.muli %arg1, %mul3A : i32
    %add3A = arith.addi %mul3A_0, %arg0 : i32
    "tpu.region"() ({
      %run_scoped3A = tpu.sem_alloc : memref<!tpu.dma_semaphore, #tpu.memory_space<semaphore_mem>>
      tpu.enqueue_dma source(%arg2 : memref<65536xf32, #tpu.memory_space<hbm>>) target(%arg7 : memref<65536xf32, #tpu.memory_space<vmem>>) target_semaphore(%run_scoped3A : memref<!tpu.dma_semaphore, #tpu.memory_space<semaphore_mem>>)
      tpu.wait_dma2 semaphore(%run_scoped3A : memref<!tpu.dma_semaphore, #tpu.memory_space<semaphore_mem>>) src(%arg2 : memref<65536xf32, #tpu.memory_space<hbm>>) dst(%arg7 : memref<65536xf32, #tpu.memory_space<vmem>>)
      tpu.yield
    }) : () -> ()
    %mul3A_1 = arith.constant 1600 : i32
    %mul3A_2 = arith.muli %add3A, %mul3A_1 : i32
    "tpu.region"() ({
      %run_scoped3A = tpu.sem_alloc : memref<!tpu.dma_semaphore, #tpu.memory_space<semaphore_mem>>
      %dma_start3A = tpu.memref_slice %arg3[%mul3A_2] : memref<120000xf32, #tpu.memory_space<hbm>> -> memref<1600xf32, #tpu.memory_space<hbm>>
      %dma_start3A_16 = tpu.memref_slice %arg3[%mul3A_2] : memref<120000xf32, #tpu.memory_space<hbm>> -> memref<1600xf32, #tpu.memory_space<hbm>>
      tpu.enqueue_dma source(%dma_start3A_16 : memref<1600xf32, #tpu.memory_space<hbm>>) target(%arg8 : memref<1600xf32, #tpu.memory_space<vmem>>) target_semaphore(%run_scoped3A : memref<!tpu.dma_semaphore, #tpu.memory_space<semaphore_mem>>)
      %dma_wait3A = tpu.memref_slice %arg3[%mul3A_2] : memref<120000xf32, #tpu.memory_space<hbm>> -> memref<1600xf32, #tpu.memory_space<hbm>>
      %dma_wait3A_17 = tpu.memref_slice %arg3[%mul3A_2] : memref<120000xf32, #tpu.memory_space<hbm>> -> memref<1600xf32, #tpu.memory_space<hbm>>
      tpu.wait_dma2 semaphore(%run_scoped3A : memref<!tpu.dma_semaphore, #tpu.memory_space<semaphore_mem>>) src(%dma_wait3A_17 : memref<1600xf32, #tpu.memory_space<hbm>>) dst(%arg8 : memref<1600xf32, #tpu.memory_space<vmem>>)
      tpu.yield
    }) : () -> ()
    %add3A_3 = arith.constant 60000 : i32
    %add3A_4 = arith.addi %add3A_3, %mul3A_2 : i32
    "tpu.region"() ({
      %run_scoped3A = tpu.sem_alloc : memref<!tpu.dma_semaphore, #tpu.memory_space<semaphore_mem>>
      %dma_start3A = tpu.memref_slice %arg3[%add3A_4] : memref<120000xf32, #tpu.memory_space<hbm>> -> memref<1600xf32, #tpu.memory_space<hbm>>
      %dma_start3A_16 = tpu.memref_slice %arg3[%add3A_4] : memref<120000xf32, #tpu.memory_space<hbm>> -> memref<1600xf32, #tpu.memory_space<hbm>>
      tpu.enqueue_dma source(%dma_start3A_16 : memref<1600xf32, #tpu.memory_space<hbm>>) target(%arg9 : memref<1600xf32, #tpu.memory_space<vmem>>) target_semaphore(%run_scoped3A : memref<!tpu.dma_semaphore, #tpu.memory_space<semaphore_mem>>)
      %dma_wait3A = tpu.memref_slice %arg3[%add3A_4] : memref<120000xf32, #tpu.memory_space<hbm>> -> memref<1600xf32, #tpu.memory_space<hbm>>
      %dma_wait3A_17 = tpu.memref_slice %arg3[%add3A_4] : memref<120000xf32, #tpu.memory_space<hbm>> -> memref<1600xf32, #tpu.memory_space<hbm>>
      tpu.wait_dma2 semaphore(%run_scoped3A : memref<!tpu.dma_semaphore, #tpu.memory_space<semaphore_mem>>) src(%dma_wait3A_17 : memref<1600xf32, #tpu.memory_space<hbm>>) dst(%arg9 : memref<1600xf32, #tpu.memory_space<vmem>>)
      tpu.yield
    }) : () -> ()
    "tpu.region"() ({
      %run_scoped3A = tpu.sem_alloc : memref<!tpu.dma_semaphore, #tpu.memory_space<semaphore_mem>>
      %dma_start3A = tpu.memref_slice %arg4[%mul3A_2] : memref<60000xf32, #tpu.memory_space<hbm>> -> memref<1600xf32, #tpu.memory_space<hbm>>
      %dma_start3A_16 = tpu.memref_slice %arg4[%mul3A_2] : memref<60000xf32, #tpu.memory_space<hbm>> -> memref<1600xf32, #tpu.memory_space<hbm>>
      tpu.enqueue_dma source(%dma_start3A_16 : memref<1600xf32, #tpu.memory_space<hbm>>) target(%arg10 : memref<1600xf32, #tpu.memory_space<vmem>>) target_semaphore(%run_scoped3A : memref<!tpu.dma_semaphore, #tpu.memory_space<semaphore_mem>>)
      %dma_wait3A = tpu.memref_slice %arg4[%mul3A_2] : memref<60000xf32, #tpu.memory_space<hbm>> -> memref<1600xf32, #tpu.memory_space<hbm>>
      %dma_wait3A_17 = tpu.memref_slice %arg4[%mul3A_2] : memref<60000xf32, #tpu.memory_space<hbm>> -> memref<1600xf32, #tpu.memory_space<hbm>>
      tpu.wait_dma2 semaphore(%run_scoped3A : memref<!tpu.dma_semaphore, #tpu.memory_space<semaphore_mem>>) src(%dma_wait3A_17 : memref<1600xf32, #tpu.memory_space<hbm>>) dst(%arg10 : memref<1600xf32, #tpu.memory_space<vmem>>)
      tpu.yield
    }) : () -> ()
    "tpu.region"() ({
      %run_scoped3A = tpu.sem_alloc : memref<!tpu.dma_semaphore, #tpu.memory_space<semaphore_mem>>
      %dma_start3A = tpu.memref_slice %arg5[%mul3A_2] : memref<60000xf32, #tpu.memory_space<hbm>> -> memref<1600xf32, #tpu.memory_space<hbm>>
      %dma_start3A_16 = tpu.memref_slice %arg5[%mul3A_2] : memref<60000xf32, #tpu.memory_space<hbm>> -> memref<1600xf32, #tpu.memory_space<hbm>>
      tpu.enqueue_dma source(%dma_start3A_16 : memref<1600xf32, #tpu.memory_space<hbm>>) target(%arg11 : memref<1600xf32, #tpu.memory_space<vmem>>) target_semaphore(%run_scoped3A : memref<!tpu.dma_semaphore, #tpu.memory_space<semaphore_mem>>)
      %dma_wait3A = tpu.memref_slice %arg5[%mul3A_2] : memref<60000xf32, #tpu.memory_space<hbm>> -> memref<1600xf32, #tpu.memory_space<hbm>>
      %dma_wait3A_17 = tpu.memref_slice %arg5[%mul3A_2] : memref<60000xf32, #tpu.memory_space<hbm>> -> memref<1600xf32, #tpu.memory_space<hbm>>
      tpu.wait_dma2 semaphore(%run_scoped3A : memref<!tpu.dma_semaphore, #tpu.memory_space<semaphore_mem>>) src(%dma_wait3A_17 : memref<1600xf32, #tpu.memory_space<hbm>>) dst(%arg11 : memref<1600xf32, #tpu.memory_space<vmem>>)
      tpu.yield
    }) : () -> ()
    %scan3A = arith.constant 0 : i32
    %scan3A_5 = arith.constant 0 : i32
    %scan3A_6 = arith.constant 100 : i32
    %scan3A_7 = arith.addi %scan3A_5, %scan3A_6 : i32
    %scan3A_8 = arith.constant 1 : i32
    scf.for %scan3A_16 = %scan3A_5 to %scan3A_7 step %scan3A_8  : i32 {
      %mul3A_17 = arith.constant 16 : i32
      %mul3A_18 = arith.muli %scan3A_16, %mul3A_17 : i32
      %get3A = arith.index_cast %mul3A_18 : i32 to index
      %get3A_19 = tpu.vector_load %arg8[%get3A] {strides = array<i32>} : memref<1600xf32, #tpu.memory_space<vmem>>, vector<16xf32>,
      %get3A_20 = arith.index_cast %mul3A_18 : i32 to index
      %get3A_21 = tpu.vector_load %arg9[%get3A_20] {strides = array<i32>} : memref<1600xf32, #tpu.memory_space<vmem>>, vector<16xf32>,
      %get3A_22 = arith.index_cast %mul3A_18 : i32 to index
      %get3A_23 = tpu.vector_load %arg10[%get3A_22] {strides = array<i32>} : memref<1600xf32, #tpu.memory_space<vmem>>, vector<16xf32>,
      %add3A_24 = arith.addf %get3A_19, %get3A_23 : vector<16xf32>
      %get3A_25 = arith.index_cast %mul3A_18 : i32 to index
      %get3A_26 = tpu.vector_load %arg11[%get3A_25] {strides = array<i32>} : memref<1600xf32, #tpu.memory_space<vmem>>, vector<16xf32>,
      %add3A_27 = arith.addf %get3A_21, %get3A_26 : vector<16xf32>
      %mul3A_28 = arith.constant 2.500000e-01 : f32
      %mul3A_29 = vector.broadcast %mul3A_28 : f32 to vector<16xf32>
      %mul3A_30 = arith.mulf %get3A_19, %mul3A_29 : vector<16xf32>
      %convert_element_type3A_31 = arith.fptosi %mul3A_30 : vector<16xf32> to vector<16xi32>
      %mul3A_32 = arith.constant 2.500000e-01 : f32
      %mul3A_33 = vector.broadcast %mul3A_32 : f32 to vector<16xf32>
      %mul3A_34 = arith.mulf %get3A_21, %mul3A_33 : vector<16xf32>
      %convert_element_type3A_35 = arith.fptosi %mul3A_34 : vector<16xf32> to vector<16xi32>
      %convert_element_type3A_36 = arith.sitofp %convert_element_type3A_31 : vector<16xi32> to vector<16xf32>
      %mul3A_37 = arith.constant 4.000000e+00 : f32
      %mul3A_38 = vector.broadcast %mul3A_37 : f32 to vector<16xf32>
      %mul3A_39 = arith.mulf %convert_element_type3A_36, %mul3A_38 : vector<16xf32>
      %convert_element_type3A_40 = arith.sitofp %convert_element_type3A_35 : vector<16xi32> to vector<16xf32>
      %mul3A_41 = arith.constant 4.000000e+00 : f32
      %mul3A_42 = vector.broadcast %mul3A_41 : f32 to vector<16xf32>
      %mul3A_43 = arith.mulf %convert_element_type3A_40, %mul3A_42 : vector<16xf32>
      %add3A_44 = arith.constant 0.000000e+00 : f32
      %add3A_45 = vector.broadcast %add3A_44 : f32 to vector<16xf32>
      %add3A_46 = arith.addf %mul3A_39, %add3A_45 : vector<16xf32>
      %add3A_47 = arith.constant 4.000000e+00 : f32
      %add3A_48 = vector.broadcast %add3A_47 : f32 to vector<16xf32>
      %add3A_49 = arith.addf %add3A_46, %add3A_48 : vector<16xf32>
      %min3A = arith.minimumf %add3A_24, %add3A_49 : vector<16xf32>
      %max3A = arith.maximumf %get3A_19, %add3A_46 : vector<16xf32>
      %sub3A = arith.subf %min3A, %max3A : vector<16xf32>
      %max3A_50 = arith.constant 0.000000e+00 : f32
      %max3A_51 = vector.broadcast %max3A_50 : f32 to vector<16xf32>
      %max3A_52 = arith.maximumf %sub3A, %max3A_51 : vector<16xf32>
      %add3A_53 = arith.constant 0 : i32
      %add3A_54 = vector.broadcast %add3A_53 : i32 to vector<16xi32>
      %add3A_55 = arith.addi %convert_element_type3A_31, %add3A_54 : vector<16xi32>
      %min3A_56 = arith.constant 255 : i32
      %min3A_57 = vector.broadcast %min3A_56 : i32 to vector<16xi32>
      %min3A_58 = arith.minsi %add3A_55, %min3A_57 : vector<16xi32>
      %mul3A_59 = arith.constant 256 : i32
      %mul3A_60 = vector.broadcast %mul3A_59 : i32 to vector<16xi32>
      %mul3A_61 = arith.muli %min3A_58, %mul3A_60 : vector<16xi32>
      %add3A_62 = arith.constant 0.000000e+00 : f32
      %add3A_63 = vector.broadcast %add3A_62 : f32 to vector<16xf32>
      %add3A_64 = arith.addf %mul3A_43, %add3A_63 : vector<16xf32>
      %add3A_65 = arith.constant 4.000000e+00 : f32
      %add3A_66 = vector.broadcast %add3A_65 : f32 to vector<16xf32>
      %add3A_67 = arith.addf %add3A_64, %add3A_66 : vector<16xf32>
      %min3A_68 = arith.minimumf %add3A_27, %add3A_67 : vector<16xf32>
      %max3A_69 = arith.maximumf %get3A_21, %add3A_64 : vector<16xf32>
      %sub3A_70 = arith.subf %min3A_68, %max3A_69 : vector<16xf32>
      %max3A_71 = arith.constant 0.000000e+00 : f32
      %max3A_72 = vector.broadcast %max3A_71 : f32 to vector<16xf32>
      %max3A_73 = arith.maximumf %sub3A_70, %max3A_72 : vector<16xf32>
      %add3A_74 = arith.constant 0 : i32
      %add3A_75 = vector.broadcast %add3A_74 : i32 to vector<16xi32>
      %add3A_76 = arith.addi %convert_element_type3A_35, %add3A_75 : vector<16xi32>
      %min3A_77 = arith.constant 255 : i32
      %min3A_78 = vector.broadcast %min3A_77 : i32 to vector<16xi32>
      %min3A_79 = arith.minsi %add3A_76, %min3A_78 : vector<16xi32>
      %add3A_80 = arith.constant 4.000000e+00 : f32
      %add3A_81 = vector.broadcast %add3A_80 : f32 to vector<16xf32>
      %add3A_82 = arith.addf %mul3A_39, %add3A_81 : vector<16xf32>
      %add3A_83 = arith.constant 4.000000e+00 : f32
      %add3A_84 = vector.broadcast %add3A_83 : f32 to vector<16xf32>
      %add3A_85 = arith.addf %add3A_82, %add3A_84 : vector<16xf32>
      %min3A_86 = arith.minimumf %add3A_24, %add3A_85 : vector<16xf32>
      %max3A_87 = arith.maximumf %get3A_19, %add3A_82 : vector<16xf32>
      %sub3A_88 = arith.subf %min3A_86, %max3A_87 : vector<16xf32>
      %max3A_89 = arith.constant 0.000000e+00 : f32
      %max3A_90 = vector.broadcast %max3A_89 : f32 to vector<16xf32>
      %max3A_91 = arith.maximumf %sub3A_88, %max3A_90 : vector<16xf32>
      %add3A_92 = arith.constant 1 : i32
      %add3A_93 = vector.broadcast %add3A_92 : i32 to vector<16xi32>
      %add3A_94 = arith.addi %convert_element_type3A_31, %add3A_93 : vector<16xi32>
      %min3A_95 = arith.constant 255 : i32
      %min3A_96 = vector.broadcast %min3A_95 : i32 to vector<16xi32>
      %min3A_97 = arith.minsi %add3A_94, %min3A_96 : vector<16xi32>
      %mul3A_98 = arith.constant 256 : i32
      %mul3A_99 = vector.broadcast %mul3A_98 : i32 to vector<16xi32>
      %mul3A_100 = arith.muli %min3A_97, %mul3A_99 : vector<16xi32>
      %add3A_101 = arith.constant 4.000000e+00 : f32
      %add3A_102 = vector.broadcast %add3A_101 : f32 to vector<16xf32>
      %add3A_103 = arith.addf %mul3A_43, %add3A_102 : vector<16xf32>
      %add3A_104 = arith.constant 4.000000e+00 : f32
      %add3A_105 = vector.broadcast %add3A_104 : f32 to vector<16xf32>
      %add3A_106 = arith.addf %add3A_103, %add3A_105 : vector<16xf32>
      %min3A_107 = arith.minimumf %add3A_27, %add3A_106 : vector<16xf32>
      %max3A_108 = arith.maximumf %get3A_21, %add3A_103 : vector<16xf32>
      %sub3A_109 = arith.subf %min3A_107, %max3A_108 : vector<16xf32>
      %max3A_110 = arith.constant 0.000000e+00 : f32
      %max3A_111 = vector.broadcast %max3A_110 : f32 to vector<16xf32>
      %max3A_112 = arith.maximumf %sub3A_109, %max3A_111 : vector<16xf32>
      %add3A_113 = arith.constant 1 : i32
      %add3A_114 = vector.broadcast %add3A_113 : i32 to vector<16xi32>
      %add3A_115 = arith.addi %convert_element_type3A_35, %add3A_114 : vector<16xi32>
      %min3A_116 = arith.constant 255 : i32
      %min3A_117 = vector.broadcast %min3A_116 : i32 to vector<16xi32>
      %min3A_118 = arith.minsi %add3A_115, %min3A_117 : vector<16xi32>
      %add3A_119 = arith.constant 8.000000e+00 : f32
      %add3A_120 = vector.broadcast %add3A_119 : f32 to vector<16xf32>
      %add3A_121 = arith.addf %mul3A_39, %add3A_120 : vector<16xf32>
      %add3A_122 = arith.constant 4.000000e+00 : f32
      %add3A_123 = vector.broadcast %add3A_122 : f32 to vector<16xf32>
      %add3A_124 = arith.addf %add3A_121, %add3A_123 : vector<16xf32>
      %min3A_125 = arith.minimumf %add3A_24, %add3A_124 : vector<16xf32>
      %max3A_126 = arith.maximumf %get3A_19, %add3A_121 : vector<16xf32>
      %sub3A_127 = arith.subf %min3A_125, %max3A_126 : vector<16xf32>
      %max3A_128 = arith.constant 0.000000e+00 : f32
      %max3A_129 = vector.broadcast %max3A_128 : f32 to vector<16xf32>
      %max3A_130 = arith.maximumf %sub3A_127, %max3A_129 : vector<16xf32>
      %add3A_131 = arith.constant 2 : i32
      %add3A_132 = vector.broadcast %add3A_131 : i32 to vector<16xi32>
      %add3A_133 = arith.addi %convert_element_type3A_31, %add3A_132 : vector<16xi32>
      %min3A_134 = arith.constant 255 : i32
      %min3A_135 = vector.broadcast %min3A_134 : i32 to vector<16xi32>
      %min3A_136 = arith.minsi %add3A_133, %min3A_135 : vector<16xi32>
      %mul3A_137 = arith.constant 256 : i32
      %mul3A_138 = vector.broadcast %mul3A_137 : i32 to vector<16xi32>
      %mul3A_139 = arith.muli %min3A_136, %mul3A_138 : vector<16xi32>
      %add3A_140 = arith.constant 8.000000e+00 : f32
      %add3A_141 = vector.broadcast %add3A_140 : f32 to vector<16xf32>
      %add3A_142 = arith.addf %mul3A_43, %add3A_141 : vector<16xf32>
      %add3A_143 = arith.constant 4.000000e+00 : f32
      %add3A_144 = vector.broadcast %add3A_143 : f32 to vector<16xf32>
      %add3A_145 = arith.addf %add3A_142, %add3A_144 : vector<16xf32>
      %min3A_146 = arith.minimumf %add3A_27, %add3A_145 : vector<16xf32>
      %max3A_147 = arith.maximumf %get3A_21, %add3A_142 : vector<16xf32>
      %sub3A_148 = arith.subf %min3A_146, %max3A_147 : vector<16xf32>
      %max3A_149 = arith.constant 0.000000e+00 : f32
      %max3A_150 = vector.broadcast %max3A_149 : f32 to vector<16xf32>
      %max3A_151 = arith.maximumf %sub3A_148, %max3A_150 : vector<16xf32>
      %add3A_152 = arith.constant 2 : i32
      %add3A_153 = vector.broadcast %add3A_152 : i32 to vector<16xi32>
      %add3A_154 = arith.addi %convert_element_type3A_35, %add3A_153 : vector<16xi32>
      %min3A_155 = arith.constant 255 : i32
      %min3A_156 = vector.broadcast %min3A_155 : i32 to vector<16xi32>
      %min3A_157 = arith.minsi %add3A_154, %min3A_156 : vector<16xi32>
      %broadcast_in_dim3A = arith.constant 0.000000e+00 : f32
      %broadcast_in_dim3A_158 = vector.broadcast %broadcast_in_dim3A : f32 to vector<16xf32>
      %add3A_159 = arith.addi %mul3A_61, %min3A_79 : vector<16xi32>
      %gather3A = tpu.vector_load_idx %arg7[%add3A_159] : memref<65536xf32, #tpu.memory_space<vmem>>[vector<16xi32>], vector<16xf32>,
      %mul3A_160 = arith.mulf %max3A_52, %max3A_73 : vector<16xf32>
      %mul3A_161 = arith.mulf %mul3A_160, %gather3A : vector<16xf32>
      %add3A_162 = arith.addf %broadcast_in_dim3A_158, %mul3A_161 : vector<16xf32>
      %add3A_163 = arith.addi %mul3A_61, %min3A_118 : vector<16xi32>
      %gather3A_164 = tpu.vector_load_idx %arg7[%add3A_163] : memref<65536xf32, #tpu.memory_space<vmem>>[vector<16xi32>], vector<16xf32>,
      %mul3A_165 = arith.mulf %max3A_52, %max3A_112 : vector<16xf32>
      %mul3A_166 = arith.mulf %mul3A_165, %gather3A_164 : vector<16xf32>
      %add3A_167 = arith.addf %add3A_162, %mul3A_166 : vector<16xf32>
      %add3A_168 = arith.addi %mul3A_61, %min3A_157 : vector<16xi32>
      %gather3A_169 = tpu.vector_load_idx %arg7[%add3A_168] : memref<65536xf32, #tpu.memory_space<vmem>>[vector<16xi32>], vector<16xf32>,
      %mul3A_170 = arith.mulf %max3A_52, %max3A_151 : vector<16xf32>
      %mul3A_171 = arith.mulf %mul3A_170, %gather3A_169 : vector<16xf32>
      %add3A_172 = arith.addf %add3A_167, %mul3A_171 : vector<16xf32>
      %add3A_173 = arith.addi %mul3A_100, %min3A_79 : vector<16xi32>
      %gather3A_174 = tpu.vector_load_idx %arg7[%add3A_173] : memref<65536xf32, #tpu.memory_space<vmem>>[vector<16xi32>], vector<16xf32>,
      %mul3A_175 = arith.mulf %max3A_91, %max3A_73 : vector<16xf32>
      %mul3A_176 = arith.mulf %mul3A_175, %gather3A_174 : vector<16xf32>
      %add3A_177 = arith.addf %add3A_172, %mul3A_176 : vector<16xf32>
      %add3A_178 = arith.addi %mul3A_100, %min3A_118 : vector<16xi32>
      %gather3A_179 = tpu.vector_load_idx %arg7[%add3A_178] : memref<65536xf32, #tpu.memory_space<vmem>>[vector<16xi32>], vector<16xf32>,
      %mul3A_180 = arith.mulf %max3A_91, %max3A_112 : vector<16xf32>
      %mul3A_181 = arith.mulf %mul3A_180, %gather3A_179 : vector<16xf32>
      %add3A_182 = arith.addf %add3A_177, %mul3A_181 : vector<16xf32>
      %add3A_183 = arith.addi %mul3A_100, %min3A_157 : vector<16xi32>
      %gather3A_184 = tpu.vector_load_idx %arg7[%add3A_183] : memref<65536xf32, #tpu.memory_space<vmem>>[vector<16xi32>], vector<16xf32>,
      %mul3A_185 = arith.mulf %max3A_91, %max3A_151 : vector<16xf32>
      %mul3A_186 = arith.mulf %mul3A_185, %gather3A_184 : vector<16xf32>
      %add3A_187 = arith.addf %add3A_182, %mul3A_186 : vector<16xf32>
      %add3A_188 = arith.addi %mul3A_139, %min3A_79 : vector<16xi32>
      %gather3A_189 = tpu.vector_load_idx %arg7[%add3A_188] : memref<65536xf32, #tpu.memory_space<vmem>>[vector<16xi32>], vector<16xf32>,
      %mul3A_190 = arith.mulf %max3A_130, %max3A_73 : vector<16xf32>
      %mul3A_191 = arith.mulf %mul3A_190, %gather3A_189 : vector<16xf32>
      %add3A_192 = arith.addf %add3A_187, %mul3A_191 : vector<16xf32>
      %add3A_193 = arith.addi %mul3A_139, %min3A_118 : vector<16xi32>
      %gather3A_194 = tpu.vector_load_idx %arg7[%add3A_193] : memref<65536xf32, #tpu.memory_space<vmem>>[vector<16xi32>], vector<16xf32>,
      %mul3A_195 = arith.mulf %max3A_130, %max3A_112 : vector<16xf32>
      %mul3A_196 = arith.mulf %mul3A_195, %gather3A_194 : vector<16xf32>
      %add3A_197 = arith.addf %add3A_192, %mul3A_196 : vector<16xf32>
      %add3A_198 = arith.addi %mul3A_139, %min3A_157 : vector<16xi32>
      %gather3A_199 = tpu.vector_load_idx %arg7[%add3A_198] : memref<65536xf32, #tpu.memory_space<vmem>>[vector<16xi32>], vector<16xf32>,
      %mul3A_200 = arith.mulf %max3A_130, %max3A_151 : vector<16xf32>
      %mul3A_201 = arith.mulf %mul3A_200, %gather3A_199 : vector<16xf32>
      %add3A_202 = arith.addf %add3A_197, %mul3A_201 : vector<16xf32>
      %swap3A = arith.index_cast %mul3A_18 : i32 to index
      %swap3A_203 = tpu.vector_load %arg12[%swap3A] {strides = array<i32>} : memref<1600xf32, #tpu.memory_space<vmem>>, vector<16xf32>,
      tpu.vector_store %arg12[%swap3A], %add3A_202 {strides = array<i32>} : memref<1600xf32, #tpu.memory_space<vmem>>, vector<16xf32>,
    }
    %scan3A_9 = arith.constant 100 : i32
    %lt3A = arith.constant 31 : i32
    %lt3A_10 = arith.cmpi slt, %add3A, %lt3A : i32
    %convert_element_type3A = arith.extui %lt3A_10 : i1 to i32
    %cond3A = arith.constant 0 : i32
    %cond3A_11 = arith.cmpi ne, %convert_element_type3A, %cond3A : i32
    scf.if %cond3A_11 {
      "tpu.region"() ({
        %run_scoped3A = tpu.sem_alloc : memref<!tpu.dma_semaphore, #tpu.memory_space<semaphore_mem>>
        %dma_start3A = tpu.memref_slice %arg6[%mul3A_2] : memref<50000xf32, #tpu.memory_space<hbm>> -> memref<1600xf32, #tpu.memory_space<hbm>>
        %dma_start3A_16 = tpu.memref_slice %arg6[%mul3A_2] : memref<50000xf32, #tpu.memory_space<hbm>> -> memref<1600xf32, #tpu.memory_space<hbm>>
        tpu.enqueue_dma source(%arg12 : memref<1600xf32, #tpu.memory_space<vmem>>) target(%dma_start3A_16 : memref<1600xf32, #tpu.memory_space<hbm>>) target_semaphore(%run_scoped3A : memref<!tpu.dma_semaphore, #tpu.memory_space<semaphore_mem>>)
        %dma_wait3A = tpu.memref_slice %arg6[%mul3A_2] : memref<50000xf32, #tpu.memory_space<hbm>> -> memref<1600xf32, #tpu.memory_space<hbm>>
        %dma_wait3A_17 = tpu.memref_slice %arg6[%mul3A_2] : memref<50000xf32, #tpu.memory_space<hbm>> -> memref<1600xf32, #tpu.memory_space<hbm>>
        tpu.wait_dma2 semaphore(%run_scoped3A : memref<!tpu.dma_semaphore, #tpu.memory_space<semaphore_mem>>) src(%arg12 : memref<1600xf32, #tpu.memory_space<vmem>>) dst(%dma_wait3A_17 : memref<1600xf32, #tpu.memory_space<hbm>>)
        tpu.yield
      }) : () -> ()
    } else {
    }
    %eq3A = arith.constant 31 : i32
    %eq3A_12 = arith.cmpi eq, %add3A, %eq3A : i32
    %convert_element_type3A_13 = arith.extui %eq3A_12 : i1 to i32
    %cond3A_14 = arith.constant 0 : i32
    %cond3A_15 = arith.cmpi ne, %convert_element_type3A_13, %cond3A_14 : i32
    scf.if %cond3A_15 {
      "tpu.region"() ({
        %run_scoped3A = tpu.sem_alloc : memref<!tpu.dma_semaphore, #tpu.memory_space<semaphore_mem>>
        %dma_start3A = arith.constant 0 : i32
        %dma_start3A_16 = tpu.memref_slice %arg12[%dma_start3A] : memref<1600xf32, #tpu.memory_space<vmem>> -> memref<400xf32, #tpu.memory_space<vmem>>
        %dma_start3A_17 = tpu.memref_slice %arg6[%mul3A_2] : memref<50000xf32, #tpu.memory_space<hbm>> -> memref<400xf32, #tpu.memory_space<hbm>>
        %dma_start3A_18 = tpu.memref_slice %arg6[%mul3A_2] : memref<50000xf32, #tpu.memory_space<hbm>> -> memref<400xf32, #tpu.memory_space<hbm>>
        %dma_start3A_19 = arith.constant 0 : i32
        %dma_start3A_20 = tpu.memref_slice %arg12[%dma_start3A_19] : memref<1600xf32, #tpu.memory_space<vmem>> -> memref<400xf32, #tpu.memory_space<vmem>>
        tpu.enqueue_dma source(%dma_start3A_20 : memref<400xf32, #tpu.memory_space<vmem>>) target(%dma_start3A_18 : memref<400xf32, #tpu.memory_space<hbm>>) target_semaphore(%run_scoped3A : memref<!tpu.dma_semaphore, #tpu.memory_space<semaphore_mem>>)
        %dma_wait3A = arith.constant 0 : i32
        %dma_wait3A_21 = tpu.memref_slice %arg12[%dma_wait3A] : memref<1600xf32, #tpu.memory_space<vmem>> -> memref<400xf32, #tpu.memory_space<vmem>>
        %dma_wait3A_22 = tpu.memref_slice %arg6[%mul3A_2] : memref<50000xf32, #tpu.memory_space<hbm>> -> memref<400xf32, #tpu.memory_space<hbm>>
        %dma_wait3A_23 = tpu.memref_slice %arg6[%mul3A_2] : memref<50000xf32, #tpu.memory_space<hbm>> -> memref<400xf32, #tpu.memory_space<hbm>>
        %dma_wait3A_24 = arith.constant 0 : i32
        %dma_wait3A_25 = tpu.memref_slice %arg12[%dma_wait3A_24] : memref<1600xf32, #tpu.memory_space<vmem>> -> memref<400xf32, #tpu.memory_space<vmem>>
        tpu.wait_dma2 semaphore(%run_scoped3A : memref<!tpu.dma_semaphore, #tpu.memory_space<semaphore_mem>>) src(%dma_wait3A_25 : memref<400xf32, #tpu.memory_space<vmem>>) dst(%dma_wait3A_23 : memref<400xf32, #tpu.memory_space<hbm>>)
        tpu.yield
      }) : () -> ()
    } else {
    }
    return
  }
}

module attributes {stable_mosaic.version = 14 : i64} {
  func.func @_tc_rudy2_body(%arg0: i32, %arg1: memref<1x1x2048xf32, #tpu.memory_space<vmem>>, %arg2: memref<1x1x2048xf32, #tpu.memory_space<vmem>>, %arg3: memref<1x1x2048xf32, #tpu.memory_space<vmem>>, %arg4: memref<1x1x2048xf32, #tpu.memory_space<vmem>>, %arg5: memref<1x1x2048xf32, #tpu.memory_space<vmem>>, %arg6: memref<1x1x2048xf32, #tpu.memory_space<vmem>>, %arg7: memref<256x256xf32, #tpu.memory_space<vmem>>, %arg8: memref<256x256xf32, #tpu.memory_space<vmem>>, %arg9: memref<256x256xf32, #tpu.memory_space<vmem>>, %arg10: memref<256x256xf32, #tpu.memory_space<vmem>>, %arg11: memref<256x256xf32, #tpu.memory_space<vmem>>) attributes {dimension_semantics = [#tpu.dimension_semantics<arbitrary>], iteration_bounds = array<i64: 13>, scalar_prefetch = 0 : i64, scratch_operands = 2 : i64, tpu.core_type = #tpu.core_type<tc>, window_params = [{transform_indices = @transform_0, window_bounds = array<i64: 1, 1, 2048>}, {transform_indices = @transform_1, window_bounds = array<i64: 1, 1, 2048>}, {transform_indices = @transform_2, window_bounds = array<i64: 1, 1, 2048>}, {transform_indices = @transform_3, window_bounds = array<i64: 1, 1, 2048>}, {transform_indices = @transform_4, window_bounds = array<i64: 1, 1, 2048>}, {transform_indices = @transform_5, window_bounds = array<i64: 1, 1, 2048>}, {pipeline_mode = #tpu.pipeline_mode<synchronous>, transform_indices = @transform_6, window_bounds = array<i64: 256, 256>}, {pipeline_mode = #tpu.pipeline_mode<synchronous>, transform_indices = @transform_7, window_bounds = array<i64: 256, 256>}, {pipeline_mode = #tpu.pipeline_mode<synchronous>, transform_indices = @transform_8, window_bounds = array<i64: 256, 256>}]} {
    %eq3A = arith.constant 0 : i32
    %eq3A_0 = arith.cmpi eq, %arg0, %eq3A : i32
    %convert_element_type3A = arith.extui %eq3A_0 : i1 to i32
    %cond3A = arith.constant 0 : i32
    %cond3A_1 = arith.cmpi ne, %convert_element_type3A, %cond3A : i32
    scf.if %cond3A_1 {
      %get3A_78 = arith.constant 0 : index
      %get3A_79 = arith.constant 0 : index
      %get3A_80 = vector.load %arg7[%get3A_78, %get3A_79] : memref<256x256xf32, #tpu.memory_space<vmem>>, vector<256x256xf32>
      %swap3A_81 = arith.constant 0 : index
      %swap3A_82 = arith.constant 0 : index
      %swap3A_83 = vector.load %arg10[%swap3A_81, %swap3A_82] : memref<256x256xf32, #tpu.memory_space<vmem>>, vector<256x256xf32>
      tpu.vector_store %arg10[%swap3A_81, %swap3A_82], %get3A_80 {strides = array<i32>} : memref<256x256xf32, #tpu.memory_space<vmem>>, vector<256x256xf32>,
      %get3A_84 = arith.constant 0 : index
      %get3A_85 = arith.constant 0 : index
      %get3A_86 = vector.load %arg8[%get3A_84, %get3A_85] : memref<256x256xf32, #tpu.memory_space<vmem>>, vector<256x256xf32>
      %swap3A_87 = arith.constant 0 : index
      %swap3A_88 = arith.constant 0 : index
      %swap3A_89 = vector.load %arg11[%swap3A_87, %swap3A_88] : memref<256x256xf32, #tpu.memory_space<vmem>>, vector<256x256xf32>
      tpu.vector_store %arg11[%swap3A_87, %swap3A_88], %get3A_86 {strides = array<i32>} : memref<256x256xf32, #tpu.memory_space<vmem>>, vector<256x256xf32>,
    } else {
    }
    %iota3A = tpu.iota {dimensions = array<i32: 0>} : vector<256x1xi32>
    %convert_element_type3A_2 = arith.sitofp %iota3A : vector<256x1xi32> to vector<256x1xf32>
    %mul3A = arith.constant 4.000000e+00 : f32
    %mul3A_3 = vector.broadcast %mul3A : f32 to vector<256x1xf32>
    %mul3A_4 = arith.mulf %convert_element_type3A_2, %mul3A_3 : vector<256x1xf32>
    %add3A = arith.constant 4.000000e+00 : f32
    %add3A_5 = vector.broadcast %add3A : f32 to vector<256x1xf32>
    %add3A_6 = arith.addf %mul3A_4, %add3A_5 : vector<256x1xf32>
    %get3A = arith.constant 0 : index
    %get3A_7 = arith.constant 0 : index
    %get3A_8 = arith.constant 0 : index
    %get3A_9 = vector.load %arg2[%get3A, %get3A_7, %get3A_8] : memref<1x1x2048xf32, #tpu.memory_space<vmem>>, vector<1x1x2048xf32>
    %get3A_10 = vector.shape_cast %get3A_9 : vector<1x1x2048xf32> to vector<1x2048xf32>
    %min3A = vector.broadcast %get3A_10 : vector<1x2048xf32> to vector<256x2048xf32>
    %min3A_11 = vector.broadcast %add3A_6 : vector<256x1xf32> to vector<256x2048xf32>
    %min3A_12 = arith.minimumf %min3A, %min3A_11 : vector<256x2048xf32>
    %get3A_13 = arith.constant 0 : index
    %get3A_14 = arith.constant 0 : index
    %get3A_15 = arith.constant 0 : index
    %get3A_16 = vector.load %arg1[%get3A_13, %get3A_14, %get3A_15] : memref<1x1x2048xf32, #tpu.memory_space<vmem>>, vector<1x1x2048xf32>
    %get3A_17 = vector.shape_cast %get3A_16 : vector<1x1x2048xf32> to vector<1x2048xf32>
    %max3A = vector.broadcast %get3A_17 : vector<1x2048xf32> to vector<256x2048xf32>
    %max3A_18 = vector.broadcast %mul3A_4 : vector<256x1xf32> to vector<256x2048xf32>
    %max3A_19 = arith.maximumf %max3A, %max3A_18 : vector<256x2048xf32>
    %sub3A = arith.subf %min3A_12, %max3A_19 : vector<256x2048xf32>
    %max3A_20 = arith.constant 0.000000e+00 : f32
    %max3A_21 = vector.broadcast %max3A_20 : f32 to vector<256x2048xf32>
    %max3A_22 = arith.maximumf %sub3A, %max3A_21 : vector<256x2048xf32>
    %get3A_23 = arith.constant 0 : index
    %get3A_24 = arith.constant 0 : index
    %get3A_25 = arith.constant 0 : index
    %get3A_26 = vector.load %arg4[%get3A_23, %get3A_24, %get3A_25] : memref<1x1x2048xf32, #tpu.memory_space<vmem>>, vector<1x1x2048xf32>
    %get3A_27 = vector.shape_cast %get3A_26 : vector<1x1x2048xf32> to vector<1x2048xf32>
    %min3A_28 = vector.broadcast %get3A_27 : vector<1x2048xf32> to vector<256x2048xf32>
    %min3A_29 = vector.broadcast %add3A_6 : vector<256x1xf32> to vector<256x2048xf32>
    %min3A_30 = arith.minimumf %min3A_28, %min3A_29 : vector<256x2048xf32>
    %get3A_31 = arith.constant 0 : index
    %get3A_32 = arith.constant 0 : index
    %get3A_33 = arith.constant 0 : index
    %get3A_34 = vector.load %arg3[%get3A_31, %get3A_32, %get3A_33] : memref<1x1x2048xf32, #tpu.memory_space<vmem>>, vector<1x1x2048xf32>
    %get3A_35 = vector.shape_cast %get3A_34 : vector<1x1x2048xf32> to vector<1x2048xf32>
    %max3A_36 = vector.broadcast %get3A_35 : vector<1x2048xf32> to vector<256x2048xf32>
    %max3A_37 = vector.broadcast %mul3A_4 : vector<256x1xf32> to vector<256x2048xf32>
    %max3A_38 = arith.maximumf %max3A_36, %max3A_37 : vector<256x2048xf32>
    %sub3A_39 = arith.subf %min3A_30, %max3A_38 : vector<256x2048xf32>
    %max3A_40 = arith.constant 0.000000e+00 : f32
    %max3A_41 = vector.broadcast %max3A_40 : f32 to vector<256x2048xf32>
    %max3A_42 = arith.maximumf %sub3A_39, %max3A_41 : vector<256x2048xf32>
    %get3A_43 = arith.constant 0 : index
    %get3A_44 = arith.constant 0 : index
    %get3A_45 = arith.constant 0 : index
    %get3A_46 = vector.load %arg5[%get3A_43, %get3A_44, %get3A_45] : memref<1x1x2048xf32, #tpu.memory_space<vmem>>, vector<1x1x2048xf32>
    %get3A_47 = vector.shape_cast %get3A_46 : vector<1x1x2048xf32> to vector<1x2048xf32>
    %mul3A_48 = vector.broadcast %get3A_47 : vector<1x2048xf32> to vector<256x2048xf32>
    %mul3A_49 = arith.mulf %max3A_22, %mul3A_48 : vector<256x2048xf32>
    %dot_general3A = arith.constant dense<0.000000e+00> : vector<256x256xf32>
    %dot_general3A_50 = tpu.matmul %mul3A_49, %max3A_42, %dot_general3A {dimension_numbers = #tpu.dot_dimension_numbers<[1], [1], [0], [0], [0, 0, 1, 0], [], []>, transpose_lhs_hint = false} : vector<256x2048xf32>, vector<256x2048xf32>, vector<256x256xf32> -> vector<256x256xf32>
    %get3A_51 = arith.constant 0 : index
    %get3A_52 = arith.constant 0 : index
    %get3A_53 = arith.constant 0 : index
    %get3A_54 = vector.load %arg6[%get3A_51, %get3A_52, %get3A_53] : memref<1x1x2048xf32, #tpu.memory_space<vmem>>, vector<1x1x2048xf32>
    %get3A_55 = vector.shape_cast %get3A_54 : vector<1x1x2048xf32> to vector<1x2048xf32>
    %mul3A_56 = vector.broadcast %get3A_55 : vector<1x2048xf32> to vector<256x2048xf32>
    %mul3A_57 = arith.mulf %max3A_22, %mul3A_56 : vector<256x2048xf32>
    %dot_general3A_58 = arith.constant dense<0.000000e+00> : vector<256x256xf32>
    %dot_general3A_59 = tpu.matmul %mul3A_57, %max3A_42, %dot_general3A_58 {dimension_numbers = #tpu.dot_dimension_numbers<[1], [1], [0], [0], [0, 0, 1, 0], [], []>, transpose_lhs_hint = false} : vector<256x2048xf32>, vector<256x2048xf32>, vector<256x256xf32> -> vector<256x256xf32>
    %get3A_60 = arith.constant 0 : index
    %get3A_61 = arith.constant 0 : index
    %get3A_62 = vector.load %arg10[%get3A_60, %get3A_61] : memref<256x256xf32, #tpu.memory_space<vmem>>, vector<256x256xf32>
    %add3A_63 = arith.addf %get3A_62, %dot_general3A_50 : vector<256x256xf32>
    %swap3A = arith.constant 0 : index
    %swap3A_64 = arith.constant 0 : index
    %swap3A_65 = vector.load %arg10[%swap3A, %swap3A_64] : memref<256x256xf32, #tpu.memory_space<vmem>>, vector<256x256xf32>
    tpu.vector_store %arg10[%swap3A, %swap3A_64], %add3A_63 {strides = array<i32>} : memref<256x256xf32, #tpu.memory_space<vmem>>, vector<256x256xf32>,
    %get3A_66 = arith.constant 0 : index
    %get3A_67 = arith.constant 0 : index
    %get3A_68 = vector.load %arg11[%get3A_66, %get3A_67] : memref<256x256xf32, #tpu.memory_space<vmem>>, vector<256x256xf32>
    %add3A_69 = arith.addf %get3A_68, %dot_general3A_59 : vector<256x256xf32>
    %swap3A_70 = arith.constant 0 : index
    %swap3A_71 = arith.constant 0 : index
    %swap3A_72 = vector.load %arg11[%swap3A_70, %swap3A_71] : memref<256x256xf32, #tpu.memory_space<vmem>>, vector<256x256xf32>
    tpu.vector_store %arg11[%swap3A_70, %swap3A_71], %add3A_69 {strides = array<i32>} : memref<256x256xf32, #tpu.memory_space<vmem>>, vector<256x256xf32>,
    %eq3A_73 = arith.constant 12 : i32
    %eq3A_74 = arith.cmpi eq, %arg0, %eq3A_73 : i32
    %convert_element_type3A_75 = arith.extui %eq3A_74 : i1 to i32
    %cond3A_76 = arith.constant 0 : i32
    %cond3A_77 = arith.cmpi ne, %convert_element_type3A_75, %cond3A_76 : i32
    scf.if %cond3A_77 {
      %get3A_78 = arith.constant 0 : index
      %get3A_79 = arith.constant 0 : index
      %get3A_80 = vector.load %arg10[%get3A_78, %get3A_79] : memref<256x256xf32, #tpu.memory_space<vmem>>, vector<256x256xf32>
      %div3A = arith.constant 2.500000e+01 : f32
      %div3A_81 = vector.broadcast %div3A : f32 to vector<256x256xf32>
      %div3A_82 = arith.divf %get3A_80, %div3A_81 : vector<256x256xf32>
      %get3A_83 = arith.constant 0 : index
      %get3A_84 = arith.constant 0 : index
      %get3A_85 = vector.load %arg11[%get3A_83, %get3A_84] : memref<256x256xf32, #tpu.memory_space<vmem>>, vector<256x256xf32>
      %div3A_86 = arith.constant 2.000000e+01 : f32
      %div3A_87 = vector.broadcast %div3A_86 : f32 to vector<256x256xf32>
      %div3A_88 = arith.divf %get3A_85, %div3A_87 : vector<256x256xf32>
      %max3A_89 = arith.maximumf %div3A_82, %div3A_88 : vector<256x256xf32>
      %jit3A = arith.constant 5.000000e-01 : f32
      %jit3A_90 = arith.constant 2.000000e+00 : f32
      %max3A_91 = vector.broadcast %jit3A : f32 to vector<256x256xf32>
      %max3A_92 = arith.maximumf %max3A_91, %max3A_89 : vector<256x256xf32>
      %min3A_93 = vector.broadcast %jit3A_90 : f32 to vector<256x256xf32>
      %min3A_94 = arith.minimumf %min3A_93, %max3A_92 : vector<256x256xf32>
      %swap3A_95 = arith.constant 0 : index
      %swap3A_96 = arith.constant 0 : index
      %swap3A_97 = vector.load %arg9[%swap3A_95, %swap3A_96] : memref<256x256xf32, #tpu.memory_space<vmem>>, vector<256x256xf32>
      tpu.vector_store %arg9[%swap3A_95, %swap3A_96], %min3A_94 {strides = array<i32>} : memref<256x256xf32, #tpu.memory_space<vmem>>, vector<256x256xf32>,
    } else {
    }
    return
  }
  func.func @transform_0(%arg0: i32) -> (i32, i32, i32) {
    %c0_i32 = arith.constant 0 : i32
    %c0_i32_0 = arith.constant 0 : i32
    %c0_i32_1 = arith.constant 0 : i32
    return %arg0, %c0_i32, %c0_i32_0 : i32, i32, i32
  }
  func.func @transform_1(%arg0: i32) -> (i32, i32, i32) {
    %c0_i32 = arith.constant 0 : i32
    %c0_i32_0 = arith.constant 0 : i32
    %c0_i32_1 = arith.constant 0 : i32
    return %arg0, %c0_i32, %c0_i32_0 : i32, i32, i32
  }
  func.func @transform_2(%arg0: i32) -> (i32, i32, i32) {
    %c0_i32 = arith.constant 0 : i32
    %c0_i32_0 = arith.constant 0 : i32
    %c0_i32_1 = arith.constant 0 : i32
    return %arg0, %c0_i32, %c0_i32_0 : i32, i32, i32
  }
  func.func @transform_3(%arg0: i32) -> (i32, i32, i32) {
    %c0_i32 = arith.constant 0 : i32
    %c0_i32_0 = arith.constant 0 : i32
    %c0_i32_1 = arith.constant 0 : i32
    return %arg0, %c0_i32, %c0_i32_0 : i32, i32, i32
  }
  func.func @transform_4(%arg0: i32) -> (i32, i32, i32) {
    %c0_i32 = arith.constant 0 : i32
    %c0_i32_0 = arith.constant 0 : i32
    %c0_i32_1 = arith.constant 0 : i32
    return %arg0, %c0_i32, %c0_i32_0 : i32, i32, i32
  }
  func.func @transform_5(%arg0: i32) -> (i32, i32, i32) {
    %c0_i32 = arith.constant 0 : i32
    %c0_i32_0 = arith.constant 0 : i32
    %c0_i32_1 = arith.constant 0 : i32
    return %arg0, %c0_i32, %c0_i32_0 : i32, i32, i32
  }
  func.func @transform_6(%arg0: i32) -> (i32, i32) {
    %c0_i32 = arith.constant 0 : i32
    %c0_i32_0 = arith.constant 0 : i32
    %c0_i32_1 = arith.constant 0 : i32
    return %c0_i32, %c0_i32_0 : i32, i32
  }
  func.func @transform_7(%arg0: i32) -> (i32, i32) {
    %c0_i32 = arith.constant 0 : i32
    %c0_i32_0 = arith.constant 0 : i32
    %c0_i32_1 = arith.constant 0 : i32
    return %c0_i32, %c0_i32_0 : i32, i32
  }
  func.func @transform_8(%arg0: i32) -> (i32, i32) {
    %c0_i32 = arith.constant 0 : i32
    %c0_i32_0 = arith.constant 0 : i32
    %c0_i32_1 = arith.constant 0 : i32
    return %c0_i32, %c0_i32_0 : i32, i32
  }
}

module attributes {stable_mosaic.version = 14 : i64} {
  func.func @_tc_rudy1_body(%arg0: i32, %arg1: memref<1x1x2048xf32, #tpu.memory_space<vmem>>, %arg2: memref<1x1x2048xf32, #tpu.memory_space<vmem>>, %arg3: memref<1x1x2048xf32, #tpu.memory_space<vmem>>, %arg4: memref<1x1x2048xf32, #tpu.memory_space<vmem>>, %arg5: memref<1x1x2048xf32, #tpu.memory_space<vmem>>, %arg6: memref<1x1x2048xf32, #tpu.memory_space<vmem>>, %arg7: memref<256x256xf32, #tpu.memory_space<vmem>>, %arg8: memref<256x256xf32, #tpu.memory_space<vmem>>) attributes {dimension_semantics = [#tpu.dimension_semantics<arbitrary>], iteration_bounds = array<i64: 13>, scalar_prefetch = 0 : i64, scratch_operands = 0 : i64, tpu.core_type = #tpu.core_type<tc>, window_params = [{transform_indices = @transform_0, window_bounds = array<i64: 1, 1, 2048>}, {transform_indices = @transform_1, window_bounds = array<i64: 1, 1, 2048>}, {transform_indices = @transform_2, window_bounds = array<i64: 1, 1, 2048>}, {transform_indices = @transform_3, window_bounds = array<i64: 1, 1, 2048>}, {transform_indices = @transform_4, window_bounds = array<i64: 1, 1, 2048>}, {transform_indices = @transform_5, window_bounds = array<i64: 1, 1, 2048>}, {pipeline_mode = #tpu.pipeline_mode<synchronous>, transform_indices = @transform_6, window_bounds = array<i64: 256, 256>}, {pipeline_mode = #tpu.pipeline_mode<synchronous>, transform_indices = @transform_7, window_bounds = array<i64: 256, 256>}]} {
    %iota3A = tpu.iota {dimensions = array<i32: 0>} : vector<256x1xi32>
    %convert_element_type3A = arith.sitofp %iota3A : vector<256x1xi32> to vector<256x1xf32>
    %mul3A = arith.constant 4.000000e+00 : f32
    %mul3A_0 = vector.broadcast %mul3A : f32 to vector<256x1xf32>
    %mul3A_1 = arith.mulf %convert_element_type3A, %mul3A_0 : vector<256x1xf32>
    %add3A = arith.constant 4.000000e+00 : f32
    %add3A_2 = vector.broadcast %add3A : f32 to vector<256x1xf32>
    %add3A_3 = arith.addf %mul3A_1, %add3A_2 : vector<256x1xf32>
    %get3A = arith.constant 0 : index
    %get3A_4 = arith.constant 0 : index
    %get3A_5 = arith.constant 0 : index
    %get3A_6 = vector.load %arg2[%get3A, %get3A_4, %get3A_5] : memref<1x1x2048xf32, #tpu.memory_space<vmem>>, vector<1x1x2048xf32>
    %get3A_7 = vector.shape_cast %get3A_6 : vector<1x1x2048xf32> to vector<1x2048xf32>
    %min3A = vector.broadcast %get3A_7 : vector<1x2048xf32> to vector<256x2048xf32>
    %min3A_8 = vector.broadcast %add3A_3 : vector<256x1xf32> to vector<256x2048xf32>
    %min3A_9 = arith.minimumf %min3A, %min3A_8 : vector<256x2048xf32>
    %get3A_10 = arith.constant 0 : index
    %get3A_11 = arith.constant 0 : index
    %get3A_12 = arith.constant 0 : index
    %get3A_13 = vector.load %arg1[%get3A_10, %get3A_11, %get3A_12] : memref<1x1x2048xf32, #tpu.memory_space<vmem>>, vector<1x1x2048xf32>
    %get3A_14 = vector.shape_cast %get3A_13 : vector<1x1x2048xf32> to vector<1x2048xf32>
    %max3A = vector.broadcast %get3A_14 : vector<1x2048xf32> to vector<256x2048xf32>
    %max3A_15 = vector.broadcast %mul3A_1 : vector<256x1xf32> to vector<256x2048xf32>
    %max3A_16 = arith.maximumf %max3A, %max3A_15 : vector<256x2048xf32>
    %sub3A = arith.subf %min3A_9, %max3A_16 : vector<256x2048xf32>
    %max3A_17 = arith.constant 0.000000e+00 : f32
    %max3A_18 = vector.broadcast %max3A_17 : f32 to vector<256x2048xf32>
    %max3A_19 = arith.maximumf %sub3A, %max3A_18 : vector<256x2048xf32>
    %get3A_20 = arith.constant 0 : index
    %get3A_21 = arith.constant 0 : index
    %get3A_22 = arith.constant 0 : index
    %get3A_23 = vector.load %arg4[%get3A_20, %get3A_21, %get3A_22] : memref<1x1x2048xf32, #tpu.memory_space<vmem>>, vector<1x1x2048xf32>
    %get3A_24 = vector.shape_cast %get3A_23 : vector<1x1x2048xf32> to vector<1x2048xf32>
    %min3A_25 = vector.broadcast %get3A_24 : vector<1x2048xf32> to vector<256x2048xf32>
    %min3A_26 = vector.broadcast %add3A_3 : vector<256x1xf32> to vector<256x2048xf32>
    %min3A_27 = arith.minimumf %min3A_25, %min3A_26 : vector<256x2048xf32>
    %get3A_28 = arith.constant 0 : index
    %get3A_29 = arith.constant 0 : index
    %get3A_30 = arith.constant 0 : index
    %get3A_31 = vector.load %arg3[%get3A_28, %get3A_29, %get3A_30] : memref<1x1x2048xf32, #tpu.memory_space<vmem>>, vector<1x1x2048xf32>
    %get3A_32 = vector.shape_cast %get3A_31 : vector<1x1x2048xf32> to vector<1x2048xf32>
    %max3A_33 = vector.broadcast %get3A_32 : vector<1x2048xf32> to vector<256x2048xf32>
    %max3A_34 = vector.broadcast %mul3A_1 : vector<256x1xf32> to vector<256x2048xf32>
    %max3A_35 = arith.maximumf %max3A_33, %max3A_34 : vector<256x2048xf32>
    %sub3A_36 = arith.subf %min3A_27, %max3A_35 : vector<256x2048xf32>
    %max3A_37 = arith.constant 0.000000e+00 : f32
    %max3A_38 = vector.broadcast %max3A_37 : f32 to vector<256x2048xf32>
    %max3A_39 = arith.maximumf %sub3A_36, %max3A_38 : vector<256x2048xf32>
    %get3A_40 = arith.constant 0 : index
    %get3A_41 = arith.constant 0 : index
    %get3A_42 = arith.constant 0 : index
    %get3A_43 = vector.load %arg5[%get3A_40, %get3A_41, %get3A_42] : memref<1x1x2048xf32, #tpu.memory_space<vmem>>, vector<1x1x2048xf32>
    %get3A_44 = vector.shape_cast %get3A_43 : vector<1x1x2048xf32> to vector<1x2048xf32>
    %mul3A_45 = vector.broadcast %get3A_44 : vector<1x2048xf32> to vector<256x2048xf32>
    %mul3A_46 = arith.mulf %max3A_19, %mul3A_45 : vector<256x2048xf32>
    %dot_general3A = arith.constant dense<0.000000e+00> : vector<256x256xf32>
    %dot_general3A_47 = tpu.matmul %mul3A_46, %max3A_39, %dot_general3A {dimension_numbers = #tpu.dot_dimension_numbers<[1], [1], [0], [0], [0, 0, 1, 0], [], []>, transpose_lhs_hint = false} : vector<256x2048xf32>, vector<256x2048xf32>, vector<256x256xf32> -> vector<256x256xf32>
    %get3A_48 = arith.constant 0 : index
    %get3A_49 = arith.constant 0 : index
    %get3A_50 = arith.constant 0 : index
    %get3A_51 = vector.load %arg6[%get3A_48, %get3A_49, %get3A_50] : memref<1x1x2048xf32, #tpu.memory_space<vmem>>, vector<1x1x2048xf32>
    %get3A_52 = vector.shape_cast %get3A_51 : vector<1x1x2048xf32> to vector<1x2048xf32>
    %mul3A_53 = vector.broadcast %get3A_52 : vector<1x2048xf32> to vector<256x2048xf32>
    %mul3A_54 = arith.mulf %max3A_19, %mul3A_53 : vector<256x2048xf32>
    %dot_general3A_55 = arith.constant dense<0.000000e+00> : vector<256x256xf32>
    %dot_general3A_56 = tpu.matmul %mul3A_54, %max3A_39, %dot_general3A_55 {dimension_numbers = #tpu.dot_dimension_numbers<[1], [1], [0], [0], [0, 0, 1, 0], [], []>, transpose_lhs_hint = false} : vector<256x2048xf32>, vector<256x2048xf32>, vector<256x256xf32> -> vector<256x256xf32>
    %eq3A = arith.constant 0 : i32
    %eq3A_57 = arith.cmpi eq, %arg0, %eq3A : i32
    %convert_element_type3A_58 = arith.extui %eq3A_57 : i1 to i32
    %cond3A = arith.constant 0 : i32
    %cond3A_59 = arith.cmpi ne, %convert_element_type3A_58, %cond3A : i32
    scf.if %cond3A_59 {
      %swap3A = arith.constant 0 : index
      %swap3A_64 = arith.constant 0 : index
      %swap3A_65 = vector.load %arg7[%swap3A, %swap3A_64] : memref<256x256xf32, #tpu.memory_space<vmem>>, vector<256x256xf32>
      tpu.vector_store %arg7[%swap3A, %swap3A_64], %dot_general3A_47 {strides = array<i32>} : memref<256x256xf32, #tpu.memory_space<vmem>>, vector<256x256xf32>,
      %swap3A_66 = arith.constant 0 : index
      %swap3A_67 = arith.constant 0 : index
      %swap3A_68 = vector.load %arg8[%swap3A_66, %swap3A_67] : memref<256x256xf32, #tpu.memory_space<vmem>>, vector<256x256xf32>
      tpu.vector_store %arg8[%swap3A_66, %swap3A_67], %dot_general3A_56 {strides = array<i32>} : memref<256x256xf32, #tpu.memory_space<vmem>>, vector<256x256xf32>,
    } else {
    }
    %gt3A = arith.constant 0 : i32
    %gt3A_60 = arith.cmpi sgt, %arg0, %gt3A : i32
    %convert_element_type3A_61 = arith.extui %gt3A_60 : i1 to i32
    %cond3A_62 = arith.constant 0 : i32
    %cond3A_63 = arith.cmpi ne, %convert_element_type3A_61, %cond3A_62 : i32
    scf.if %cond3A_63 {
      %get3A_64 = arith.constant 0 : index
      %get3A_65 = arith.constant 0 : index
      %get3A_66 = vector.load %arg7[%get3A_64, %get3A_65] : memref<256x256xf32, #tpu.memory_space<vmem>>, vector<256x256xf32>
      %add3A_67 = arith.addf %get3A_66, %dot_general3A_47 : vector<256x256xf32>
      %swap3A = arith.constant 0 : index
      %swap3A_68 = arith.constant 0 : index
      %swap3A_69 = vector.load %arg7[%swap3A, %swap3A_68] : memref<256x256xf32, #tpu.memory_space<vmem>>, vector<256x256xf32>
      tpu.vector_store %arg7[%swap3A, %swap3A_68], %add3A_67 {strides = array<i32>} : memref<256x256xf32, #tpu.memory_space<vmem>>, vector<256x256xf32>,
      %get3A_70 = arith.constant 0 : index
      %get3A_71 = arith.constant 0 : index
      %get3A_72 = vector.load %arg8[%get3A_70, %get3A_71] : memref<256x256xf32, #tpu.memory_space<vmem>>, vector<256x256xf32>
      %add3A_73 = arith.addf %get3A_72, %dot_general3A_56 : vector<256x256xf32>
      %swap3A_74 = arith.constant 0 : index
      %swap3A_75 = arith.constant 0 : index
      %swap3A_76 = vector.load %arg8[%swap3A_74, %swap3A_75] : memref<256x256xf32, #tpu.memory_space<vmem>>, vector<256x256xf32>
      tpu.vector_store %arg8[%swap3A_74, %swap3A_75], %add3A_73 {strides = array<i32>} : memref<256x256xf32, #tpu.memory_space<vmem>>, vector<256x256xf32>,
    } else {
    }
    return
  }
  func.func @transform_0(%arg0: i32) -> (i32, i32, i32) {
    %c0_i32 = arith.constant 0 : i32
    %c0_i32_0 = arith.constant 0 : i32
    %c0_i32_1 = arith.constant 0 : i32
    return %arg0, %c0_i32, %c0_i32_0 : i32, i32, i32
  }
  func.func @transform_1(%arg0: i32) -> (i32, i32, i32) {
    %c0_i32 = arith.constant 0 : i32
    %c0_i32_0 = arith.constant 0 : i32
    %c0_i32_1 = arith.constant 0 : i32
    return %arg0, %c0_i32, %c0_i32_0 : i32, i32, i32
  }
  func.func @transform_2(%arg0: i32) -> (i32, i32, i32) {
    %c0_i32 = arith.constant 0 : i32
    %c0_i32_0 = arith.constant 0 : i32
    %c0_i32_1 = arith.constant 0 : i32
    return %arg0, %c0_i32, %c0_i32_0 : i32, i32, i32
  }
  func.func @transform_3(%arg0: i32) -> (i32, i32, i32) {
    %c0_i32 = arith.constant 0 : i32
    %c0_i32_0 = arith.constant 0 : i32
    %c0_i32_1 = arith.constant 0 : i32
    return %arg0, %c0_i32, %c0_i32_0 : i32, i32, i32
  }
  func.func @transform_4(%arg0: i32) -> (i32, i32, i32) {
    %c0_i32 = arith.constant 0 : i32
    %c0_i32_0 = arith.constant 0 : i32
    %c0_i32_1 = arith.constant 0 : i32
    return %arg0, %c0_i32, %c0_i32_0 : i32, i32, i32
  }
  func.func @transform_5(%arg0: i32) -> (i32, i32, i32) {
    %c0_i32 = arith.constant 0 : i32
    %c0_i32_0 = arith.constant 0 : i32
    %c0_i32_1 = arith.constant 0 : i32
    return %arg0, %c0_i32, %c0_i32_0 : i32, i32, i32
  }
  func.func @transform_6(%arg0: i32) -> (i32, i32) {
    %c0_i32 = arith.constant 0 : i32
    %c0_i32_0 = arith.constant 0 : i32
    %c0_i32_1 = arith.constant 0 : i32
    return %c0_i32, %c0_i32_0 : i32, i32
  }
  func.func @transform_7(%arg0: i32) -> (i32, i32) {
    %c0_i32 = arith.constant 0 : i32
    %c0_i32_0 = arith.constant 0 : i32
    %c0_i32_1 = arith.constant 0 : i32
    return %c0_i32, %c0_i32_0 : i32, i32
  }
}

</mosaic_0001>

<sc_bundles>
// kernel: kernel.10.cloned.1.call-start
scs
__scs_entry_jumppad:
0x0: {  	(pc) =	sbr.rel $0x88, $3  }
0x1: {  	(tag) =	ssettag $0x0;
	lr =	simm.s32 $0x1  }
0x2: {  	[smem:$0x3F9B] =	sst lr;
	_ =	strace $0xD0000000  }
0x3: {  	_ = 	snop  }
0x4: {  	_ = 	snop  }
0x5: {  	_ = 	snop  }
0x6: {  	_ = 	snop  }
0x7: {  	_ = 	snop  }
__scs_overlays_trampoline_lowered:
0x8: {  	[smem:$0x3FAA] =	sst s0  }
0x9: {  	[smem:$0x3FAB] =	sst s1  }
0xa: {  	[smem:$0x3FAC] =	sst s2  }
0xb: {  	[smem:$0x3FAD] =	sst s3  }
0xc: {  	[smem:$0x3FAE] =	sst s4  }
0xd: {  	[smem:$0x3FAF] =	sst s5  }
0xe: {  	[smem:$0x3FB0] =	sst s6  }
0xf: {  	[smem:$0x3FB1] =	sst s7  }
0x10: {  	[smem:$0x3FB2] =	sst s8  }
0x11: {  	[smem:$0x3FB3] =	sst s9;
	s0 =	simm.s32 @!p0 $0x0  }
0x12: {  	s1 =	sld [smem:$0x3F99];
	s0 =	simm.s32 @p0 $0x1  }
0x13: {  	[smem:$0x3FB4] =	sst s0;
	s0 =	simm.s32 @!p1 $0x0  }
0x14: {  	s2 =	sld [smem:$0x3F98];
	s0 =	simm.s32 @p1 $0x1  }
0x15: {  	[smem:$0x3FB5] =	sst s0;
	s0 =	simm.s32 @!p2 $0x0  }
0x16: {  	s3 =	sld [smem:$0x3FDB];
	s0 =	simm.s32 @p2 $0x1  }
0x17: {  	s4 =	simm.s32 $0x1BF5;
	[smem:$0x3FB7] =	sst s0  }
0x18: {  	s0 =	sld [smem:$0x3F9A];
	_ =	swait.ge [sflag:s4], $0x0  }
0x19: {  	s7 =	sld [smem:$0x3F9B]  }
0x1a: {  	s8 =	sadd.s32 $0xFFFFE003, lr  }
0x1b: {  	s9 =	sadd.s32 $0xFFFFFEF7, lr;
	s5 =	simm.s32 $0xFFFFFFFF;
	p2 =	slt.u32 s8, $0xFFFFF086  }
0x1c: {  	p1 =	slt.u32 s9, $0xF7A;
	s5 =	simm.s32 @!p2 $0x0  }
0x1d: {  	s5 =	simm.s32 @p1 $0x1;
	p0 =	seq.s32 s7, s2  }
0x1e: {  	s7 =	smul.u32 @!p0 $0xF7A, s2;
	p2 =	seq.s32 @!p0 s5, $0x0  }
0x1f: {  	s9 =	smul.u32 $0xF7A, s1;
	s8 =	simm.s32 @!p0 $0x1BF5;
	p2 =	por !p2, p0  }
0x20: {  	[sflag:s8] =	ssyncset.s32 @!p0 $0xFFFFF086;
	s6 =	sadd.s32 @!p0 s3, s7;
	s7 =	simm.s32 @!p0 $0x108  }
0x21: {  	s3 =	sadd.s32 s3, s9;
	s6 =	sadd.s32 @!p0 $0x88, s6;
	s7 =	simm.s32 @p2 $0x1082  }
0x22: {  	[simem:s7], [sflag:s8] =	dma.local @!p0 [hbm:s6], $0xF7A  }
0x23: {  	s9 =	sor.u32 $0xD0000000, s2;
	s6 =	simm.s32 $0x108;
	_ =	swait.ge @!p0 [sflag:s8], $0x0  }
0x24: {  	s3 =	sadd.s32 $0x88, s3;
	s6 =	simm.s32 @!p1 $0x1082;
	[sflag:s4] =	ssyncset.s32 $0xFFFFF086  }
0x25: {  	[simem:s6], [sflag:s4] =	dma.local [hbm:s3], $0xF7A  }
0x26: {  	[smem:$0x3F9B] =	sst s1;
	(tag) =	ssettag s2;
	_ =	strace s9  }
0x27: {  	s1 =	sld [smem:$0x3FAB]  }
0x28: {  	s2 =	sld [smem:$0x3FAC]  }
0x29: {  	s4 =	sld [smem:$0x3FAE]  }
0x2a: {  	p0 =	seq.s32 s5, $0x0;
	s5 =	sld [smem:$0x3FAF]  }
0x2b: {  	s6 =	sld [smem:$0x3FB0]  }
0x2c: {  	s7 =	sld [smem:$0x3FB1]  }
0x2d: {  	s3 =	simm.s32 $0x108;
	s8 =	sld [smem:$0x3FB2]  }
0x2e: {  	s3 =	simm.s32 @!p0 $0x1082;
	s9 =	sld [smem:$0x3FB3]  }
0x2f: {  	lr =	sadd.s32 s0, s3;
	s0 =	sld [smem:$0x3FAA]  }
0x30: {  	s3 =	sld [smem:$0x3FAD]  }
0x31: {  	[smem:$0x3FB6] =	sst s10  }
0x32: {  	s10 =	sld [smem:$0x3FB4];
	_ =	sdelay $0x3  }
0x33: {  	p0 =	seq.s32 s10, $0x1;
	s10 =	sld [smem:$0x3FB6];
	_ =	sdelay $0x3  }
0x34: {  	[smem:$0x3FB6] =	sst s10  }
0x35: {  	s10 =	sld [smem:$0x3FB5];
	_ =	sdelay $0x3  }
0x36: {  	p1 =	seq.s32 s10, $0x1;
	s10 =	sld [smem:$0x3FB6];
	_ =	sdelay $0x3  }
0x37: {  	[smem:$0x3FB6] =	sst s10  }
0x38: {  	s10 =	sld [smem:$0x3FB7]  }
0x39: {  	_ = 	snop;
	(pc) =	sbr.ind lr, $3  }
0x3a: {  	_ = 	snop  }
0x3b: {  	_ = 	snop  }
0x3c: {  	p2 =	seq.s32 s10, $0x1;
	s10 =	sld [smem:$0x3FB6]  }
0x3d: {  	_ =	shalt  }
0x3e: {  	_ =	shalt  }
0x3f: {  	_ =	shalt  }
0x40: {  	_ =	shalt  }
0x41: {  	_ =	shalt  }
0x42: {  	_ =	shalt  }
0x43: {  	_ =	shalt  }
0x44: {  	_ =	shalt  }
0x45: {  	_ =	shalt  }
0x46: {  	_ =	shalt  }
0x47: {  	_ =	shalt  }
0x48: {  	_ =	shalt  }
0x49: {  	_ =	shalt  }
0x4a: {  	_ =	shalt  }
0x4b: {  	_ =	shalt  }
0x4c: {  	_ =	shalt  }
0x4d: {  	_ =	shalt  }
0x4e: {  	_ =	shalt  }
0x4f: {  	_ =	shalt  }
0x50: {  	_ =	shalt  }
0x51: {  	_ =	shalt  }
0x52: {  	_ =	shalt  }
0x53: {  	_ =	shalt  }
0x54: {  	_ =	shalt  }
0x55: {  	_ =	shalt  }
0x56: {  	_ =	shalt  }
0x57: {  	_ =	shalt  }
0x58: {  	_ =	shalt  }
0x59: {  	_ =	shalt  }
0x5a: {  	_ =	shalt  }
0x5b: {  	_ =	shalt  }
0x5c: {  	_ =	shalt  }
0x5d: {  	_ =	shalt  }
0x5e: {  	_ =	shalt  }
0x5f: {  	_ =	shalt  }
0x60: {  	_ =	shalt  }
0x61: {  	_ =	shalt  }
0x62: {  	_ =	shalt  }
0x63: {  	_ =	shalt  }
0x64: {  	_ =	shalt  }
0x65: {  	_ =	shalt  }
0x66: {  	_ =	shalt  }
0x67: {  	_ =	shalt  }
0x68: {  	_ =	shalt  }
0x69: {  	_ =	shalt  }
0x6a: {  	_ =	shalt  }
0x6b: {  	_ =	shalt  }
0x6c: {  	_ =	shalt  }
0x6d: {  	_ =	shalt  }
0x6e: {  	_ =	shalt  }
0x6f: {  	_ =	shalt  }
0x70: {  	_ =	shalt  }
0x71: {  	_ =	shalt  }
0x72: {  	_ =	shalt  }
0x73: {  	_ =	shalt  }
0x74: {  	_ =	shalt  }
0x75: {  	_ =	shalt  }
0x76: {  	_ =	shalt  }
0x77: {  	_ =	shalt  }
0x78: {  	_ =	shalt  }
0x79: {  	_ =	shalt  }
0x7a: {  	_ =	shalt  }
0x7b: {  	_ =	shalt  }
0x7c: {  	_ =	shalt  }
0x7d: {  	_ =	shalt  }
0x7e: {  	_ =	shalt  }
0x7f: {  	_ =	shalt  }
0x80: {  	_ =	shalt  }
0x81: {  	_ =	shalt  }
0x82: {  	_ =	shalt  }
0x83: {  	_ =	shalt  }
0x84: {  	_ =	shalt  }
0x85: {  	_ =	shalt  }
0x86: {  	_ =	shalt  }
0x87: {  	_ =	shalt  }
.Lfunc_end0:
.L_simem_size_0:
called_computation.1_lowered:
.L_overlay_start_0:
0x88: {  	s2 =	sld [smem:$0x3FD9]  }
0x89: {  	s3 =	sld [smem:$0x3FFE];
	_ =	sdelay $0x1  }
0x8a: {  	s1 =	srdreg.scid  }
0x8b: {  	s0 =	sand.u32 $0x1, s1  }
0x8c: {  	s17 =	sshll.u32 s0, $0xA;
	s2 =	sadd.s32 s3, s2  }
0x8d: {  	s2 =	sadd.s32 s2, s17  }
0x8e: {  	[smem:$0x3FC2] =	sst s2  }
0x8f: {  	_ = 	snop  }
0x90: {  	s4 =	sld [smem:$0x3FC8]  }
0x91: {  	s18 =	sld [smem:$0x3FD0];
	(tm) =	ssettm $0x1  }
0x92: {  	s19 =	sld [smem:$0x3FFB];
	_ =	sdelay $0x3  }
0x93: {  	_ =	strace s19  }
0x94: {  	s2 =	sld [smem:$0x3FFC];
	_ =	sdelay $0x3  }
0x95: {  	_ =	strace s2  }
0x96: {  	s2 =	sld [smem:$0x3FFD];
	_ =	sdelay $0x3  }
0x97: {  	_ =	strace s2  }
0x98: {  	_ =	strace $0x8FFFFFFF  }
0x99: {  	s20 =	sld [smem:$0x3FDB];
	_ =	sdelay $0x1  }
0x9a: {  	s5 =	simm.s32 $_scs_section_size  }
0x9b: {  	s6 =	simm.s32 $_size__tile_overlayer_lowered;
	s7 =	simm.s32 $_tile_overlayer_lowered  }
0x9c: {  	s8 =	simm.s32 $0x1BFF;
	s21 =	sshll.u32 s7, $0x1;
	s5 =	sadd.s32 s5, s20  }
0x9d: {  	s22 =	simm.s32 $0x0;
	s6 =	sshll.u32 s6, $0x1;
	s7 =	sadd.s32 s21, s5  }
0x9e: {  	[timem:s22], [sflag:s8] =	dma.local [hbm:s7], s6  }
0x9f: {  	_ =	swait.ge [sflag:s8], s6  }
0xa0: {  	s6 =	ssub.s32 $0x0, s6;
	[sflag:s8] =	ssyncset.done $0x0  }
0xa1: {  	[sflag:s8] =	ssyncadd.s32 s6;
	_ =	sdelay $0x1  }
0xa2: {  	s23 =	simm.s32 $0x1B8B  }
0xa3: {  	_ =	swait.ge [sflag:s23], $0x1  }
0xa4: {  	[sflag:s23] =	ssyncset.done $0x0  }
0xa5: {  	[sflag:s23] =	ssyncadd.s32 $0xFFFFFFFF  }
0xa6: {  	s6 =	sld [smem:$0x0]  }
0xa7: {  	s7 =	sand.u32 $0xFFFFFFFE, s1  }
0xa8: {  	p0 =	sne.s32 s1, s7  }
0xa9: {  	s7 =	sshll.u32 @p0 s7, $0xE  }
0xaa: {  	s7 =	sadd.s32 @p0 $0x11B8D, s7;
	s8 =	sshll.u32 @p0 s6, $0x11  }
0xab: {  	s7 =	sor.u32 @p0 s8, s7  }
0xac: {  	[sflag:s7] =	ssyncadd.remote.s32 @p0 $0x1;
	_ =	sdelay $0x1  }
0xad: {  	s7 =	simm.s32 @p0 $0x1B8D  }
0xae: {  	_ =	swait.eq @p0 [sflag:s7], $0x1  }
0xaf: {  	[sflag:s7] =	ssyncadd.s32 @p0 $0xFFFFFFFF  }
0xb0: {  	s8 =	sshll.u32 @!p0 s1, $0xE  }
0xb1: {  	s8 =	sor.u32 @!p0 $0x4000, s8;
	s7 =	simm.s32 @!p0 $0x1B8D  }
0xb2: {  	s6 =	sshll.u32 @!p0 s6, $0x11;
	s8 =	sadd.s32 @!p0 $0x11B8D, s8;
	_ =	swait.eq @!p0 [sflag:s7], $0x1  }
0xb3: {  	s6 =	sor.u32 @!p0 s6, s8;
	[sflag:s7] =	ssyncadd.s32 @!p0 $0xFFFFFFFF  }
0xb4: {  	s25 =	simm.s32 $0x1B8E;
	s24 =	sld [smem:$0x3FFE];
	[sflag:s6] =	ssyncadd.remote.s32 @!p0 $0x1  }
0xb5: {  	s26 =	simm.s32 $execute0_lowered;
	[smem:$0x3FD2] =	sst s25  }
0xb6: {  	s7 =	sshll.u32 s26, $0x1;
	_ =	strace $0x80000049;
	[dreg:$0x1] =	wrdreg $0xFFFFFFFF  }
0xb7: {  	s28 =	simm.s32 $_size_execute0_lowered;
	s5 =	sadd.s32 s5, s7;
	[dreg:$0x0] =	wrdreg $0x0  }
0xb8: {  	s7 =	sshll.u32 s28, $0x1;
	[dreg:$0x2] =	wrdreg s5  }
0xb9: {  	[dreg:$0x3] =	wrdreg s7  }
0xba: {  	[dreg:$0x4] =	wrdreg $0xC0  }
0xbb: {  	_ =	task [dreg:s22], $0x5FFFF  }
0xbc: {  	[dreg:$0x1] =	wrdreg $0xFFFFFFFF  }
0xbd: {  	[dreg:$0x0] =	wrdreg $0x60  }
0xbe: {  	[dreg:$0x2] =	wrdreg s4  }
0xbf: {  	[dreg:$0x3] =	wrdreg s24  }
0xc0: {  	[dreg:$0x4] =	wrdreg s18  }
0xc1: {  	[dreg:$0x5] =	wrdreg $0x0  }
0xc2: {  	[dreg:$0x6] =	wrdreg $0x30D80  }
0xc3: {  	[dreg:$0x7] =	wrdreg $0xA  }
0xc4: {  	_ =	task.clear_ibuf [dreg:s22], $0x8FFFF;
	_ =	strace $0x90000049  }
0xc5: {  	s29 =	simm.s32 $0xA;
	_ =	strace $0x8000004B  }
0xc6: {  	_ =	swait.ge [sflag:s29], $0x1  }
0xc7: {  	[sflag:s29] =	ssyncadd.s32 $0xFFFFFFFF  }
0xc8: {  	_ =	strace $0x9000004B  }
0xc9: {  	_ =	sfence  }
0xca: {  	s30 =	sld [smem:$0x0];
	_ =	sdelay $0x2  }
0xcb: {  	s31 =	sshll.u32 s1, $0xD;
	s1 =	sshrl.u32 s1, $0x2  }
0xcc: {  	s4 =	sand.u32 $0x4000, s31;
	s1 =	sadd.s32 s1, s30  }
0xcd: {  	s0 =	sor.u32 s4, s0;
	s1 =	sshll.u32 s1, $0x11  }
0xce: {  	s0 =	sor.u32 s1, s0  }
0xcf: {  	s0 =	sadd.s32 $0x8F2B, s0  }
0xd0: {  	[sflag:s0] =	ssyncadd.remote.s32 $0x1  }
0xd1: {  	_ =	sfence.sel $0xFFFF  }
0xd2: {  	[dreg:$0x0] =	wrdreg $0xFFFFFFFF;
	(pc) =	sbr.abs _section_cstart, $3  }
0xd3: {  	[dreg:$0x1] =	wrdreg $0xFFFFFFFF  }
0xd4: {  	_ =	task.clear_ibuf [dreg:s22], $0x2FFFF;
	_ =	strace $0x9FFFFFFF  }
0xd5: {  	(tm) =	ssettm $0x7FFFFFFF  }
tec
execute0_lowered:
.L_overlay_start_1:
0x0: {  	(tag) =	ssettag $0x1  }
0x1: {  	s0 =	rddreg [dreg:$0x0]  }
0x2: {  	s1 =	srdreg.scid;
	s5 =	rddreg [dreg:$0x1]  }
0x3: {  	s13 =	stileid.u32;
	s9 =	rddreg [dreg:$0x2];
	s4 =	simm.s32 $0x0  }
0x4: {  	s16 =	simm.s32 $0x61B0;
	s17 =	simm.s32 $0x2;
	s20 =	simm.s32 $0x80  }
0x5: {  	s21 =	simm.s32 $0x1;
	s22 =	simm.s32 $0xD0B0;
	s23 =	simm.s32 $0xDDB0  }
0x6: {  	s28 =	simm.s32 $0xF8B0;
	s29 =	simm.s32 $0xFC30;
	s30 =	simm.s32 $0xFFB0  }
0x7: {  	s31 =	simm.s32 $0x0;
	s1 =	sand.u32 $0x1, s1;
	s2 =	sshll.u32 s13, $0x1  }
0x8: {  	[smem:$0x7FF] =	sst s4;
	s10 =	smul.u32 $0x61A8, s13;
	p0 =	slt.u32 s13, $0x8  }
0x9: {  	s3 =	sor.u32 s1, s2;
	s2 =	rddreg [dreg:$0x3];
	s1 =	ssub.s32 $0x2, s1  }
0xa: {  	s6 =	smul.u32 $0x340, s3;
	s3 =	rddreg [dreg:$0x4];
	s24 =	sshrl.u32 s1, $0x1  }
0xb: {  	_ =	strace $0x8000004A;
	s25 =	sshrl.u32 s10, $0x3;
	s1 =	ssub.s32 s1, s24  }
0xc: {  	s26 =	sadd.s32 s10, s3;
	s24 =	simm.s32 $0xEE30;
	s7 =	sadd.s32 $0x6800, s6  }
0xd: {  	s12 =	sshrl.u32 s6, $0x3;
	s6 =	sadd.s32 $0xFFFCF2C0, s26;
	s15 =	smax.u32 s1, $0x1  }
0xe: {  	s26 =	simm.s32 $0xF530;
	s8 =	sshrl.u32 s7, $0x1;
	s7 =	sshrl.u32 s7, $0x3  }
0xf: {  	s14 =	sadd.s32 s12, s5;
	s9 =	sadd.s32 s9, s12;
	s8 =	sadd.s32 s8, s5  }
0x10: {  	v0 =	vlaneseq.u32;
	s11 =	sadd.s32 s7, s5;
	s5 =	sadd.s32 s0, s25;
	s0 =	sadd.s32 s10, s2  }
0x11: {  	v0 =	vmul.u32 $0x4, v0;
	s10 =	sadd.s32 $0x10800, s14;
	s12 =	sadd.s32 $0x12400, s14;
	s13 =	sadd.s32 $0x13200, s14  }
0x12: {  	s25 =	simm.s32 $0xF1B0;
	s7 =	sadd.s32 $0x8600, s8;
	s8 =	sadd.s32 $0xEE00, s11  }
0x13: {  	v1 =	vor.u32 $0x1, v0;
	v2 =	vor.u32 $0x2, v0;
	v3 =	vor.u32 $0x3, v0;
	s11 =	sadd.s32 $0x11600, s14;
	s14 =	sadd.s32 $0x14000, s14;
	s6 =	smov.u32 @p0 s0  }
.LBB2_1:
0x14: {  	[tilespmem:s16], [sflag:$0x2] =	stream.linear.gather [hbm4b:s5+s4], $0x61A8, $0x38;
	[tilespmem:$0x10330] =	vst v63  }
0x15: {  	_ =	swait.ge [sflag:s17], $0x61A8  }
0x16: {  	[sflag:s17] =	ssyncset.done $0x0  }
0x17: {  	[sflag:s17] =	ssyncadd.s32 $0xFFFF9E58  }
0x18: {  	[spmem:s6] =	stream.linear.scatter [tilespmem:s16], [sflag:$0x2], $0x61A8, $0x38;
	[tilespmem:$0x10330] =	vst v63  }
0x19: {  	_ =	swait.ge [sflag:s17], $0x61A8  }
0x1a: {  	[sflag:s17] =	ssyncset.done $0x0  }
0x1b: {  	s0 =	simm.s32 $0xC3B0;
	[sflag:s17] =	ssyncadd.s32 $0xFFFF9E58  }
0x1c: {  	[tilespmem:s0], [sflag:$0x2] =	stream.linear.gather [hbm4b:s7+s4], $0xD00, $0x38;
	[tilespmem:$0x10330] =	vst v63  }
0x1d: {  	_ =	swait.ge [sflag:s17], $0xD00  }
0x1e: {  	[sflag:s17] =	ssyncset.done $0x0  }
0x1f: {  	s18 =	simm.s32 $0xEAB0;
	[sflag:s17] =	ssyncadd.s32 $0xFFFFF300  }
0x20: {  	[tilespmem:s18], [sflag:$0x2] =	stream.linear.gather [hbm4b:s8+s4], $0x340, $0x38;
	[tilespmem:$0x10330] =	vst v63  }
0x21: {  	_ =	swait.ge [sflag:s17], $0x340  }
0x22: {  	[sflag:s17] =	ssyncset.done $0x0  }
0x23: {  	s19 =	simm.s32 $0xD0B0;
	s1 =	simm.s32 $0xC3B0;
	[sflag:s17] =	ssyncadd.s32 $0xFFFFFCC0  }
0x24: {  	s0 =	simm.s32 $0x200;
	s18 =	simm.s32 $0xDDB0;
	[bflag:$0x0] =	sbarrier.arrive $0xFFFF  }
0x25: {  	[tilespmem:s19], [sflag:$0x1] =	stream.indirect.gather [spmem:s2], $0x1, s1, s20, $0xb8;
	[tilespmem:$0x10330] =	vst v63  }
.LBB2_2:
0x26: {  	[tilespmem:s18], [sflag:$0x1] =	stream.indirect.gather [spmem:s3], $0x1, s1, s20, $0xb8;
	[tilespmem:$0x10330] =	vst v63  }
0x27: {  	s1 =	smov.u32 s0;
	p0 =	sne.s32 s0, $0x3200  }
.Ltmp0:
0x28: {  	s0 =	sadd.s32 $0x200, s0;
	(pc) =	sbr.rel @p0 .LBB2_2-.Ltmp0, $4  }
0x29: {  	s18 =	sshra.s32 s1, $0x2  }
0x2a: {  	s19 =	sadd.s32 $0xD0B0, s18;
	s1 =	sadd.s32 $0xC3B0, s18  }
0x2b: {  	[tilespmem:s19], [sflag:$0x1] =	stream.indirect.gather [spmem:s2], $0x1, s1, s20, $0xb8;
	[tilespmem:$0x10330] =	vst v63  }
0x2c: {  	s18 =	sadd.s32 $0xDDB0, s18  }
0x2d: {  	[tilespmem:s18], [sflag:$0x1] =	stream.indirect.gather [spmem:s3], $0x1, s1, s20, $0xb8;
	[tilespmem:$0x10330] =	vst v63  }
0x2e: {  	_ =	swait.ge [sflag:s21], $0x80  }
0x2f: {  	[sflag:s21] =	ssyncset.done $0x0  }
0x30: {  	[sflag:s21] =	ssyncadd.s32 $0xFFFFFF80  }
0x31: {  	_ =	swait.ge [sflag:s21], $0x80  }
0x32: {  	s0 =	simm.s32 $0x19;
	[sflag:s21] =	ssyncset.done $0x0  }
.LBB2_4:
0x33: {  	p0 =	sne.s32 s0, $0x1;
	s0 =	sadd.s32 $0xFFFFFFFF, s0;
	[sflag:s21] =	ssyncadd.s32 $0xFFFFFF80  }
.Ltmp1:
0x34: {  	_ =	swait.ge [sflag:s21], $0x80;
	(pc) =	sbr.rel @p0 .LBB2_4-.Ltmp1, $4  }
0x35: {  	[sflag:s21] =	ssyncset.done $0x0  }
0x36: {  	[sflag:s21] =	ssyncadd.s32 $0xFFFFFF80  }
0x37: {  	_ =	swait.ge [sflag:s21], $0x80  }
0x38: {  	[sflag:s21] =	ssyncset.done $0x0  }
0x39: {  	s0 =	simm.s32 $0x0  }
0x3a: {  	v4 =	vor.u32 s0, v2  }
0x3b: {  	v5 =	vor.u32 s0, v1  }
0x3c: {  	v6 =	vor.u32 s0, v3  }
0x3d: {  	v7 =	vor.u32 s0, v0  }
0x3e: {  	[sflag:s21] =	ssyncadd.s32 $0xFFFFFF80  }
0x3f: {  	v8 =	vld.idx.msk [tilespmem:v4+s23+$0x0], $0xffff  }
0x40: {  	v9 =	vld.idx.msk [tilespmem:v5+s23+$0x0], $0xffff  }
0x41: {  	v10 =	vld.idx.msk [tilespmem:v6+s23+$0x0], $0xffff  }
0x42: {  	v11 =	vld.idx.msk [tilespmem:v7+s22+$0x0], $0xffff  }
0x43: {  	v7 =	vld.idx.msk [tilespmem:v7+s23+$0x0], $0xffff  }
0x44: {  	v6 =	vld.idx.msk [tilespmem:v6+s22+$0x0], $0xffff  }
0x45: {  	v4 =	vld.idx.msk [tilespmem:v4+s22+$0x0], $0xffff  }
0x46: {  	v5 =	vld.idx.msk [tilespmem:v5+s22+$0x0], $0xffff;
	_ =	sdelay $0x2  }
0x47: {  	v12 =	vmin.f32 v7, v9  }
0x48: {  	v7 =	vmax.f32 v7, v9;
	v58 =	vmin.f32 v8, v10;
	v8 =	vmax.f32 v8, v10  }
0x49: {  	v59 =	vmin.f32 v4, v6;
	v4 =	vmax.f32 v4, v6;
	v61 =	vmin.f32 v11, v5  }
0x4a: {  	v5 =	vmax.f32 v11, v5;
	v60 =	vmin.f32 v12, v58;
	v7 =	vmax.f32 v7, v8  }
0x4b: {  	v62 =	vmin.f32 v61, v59;
	v4 =	vmax.f32 v5, v4;
	v5 =	vsub.f32 v7, v60  }
0x4c: {  	s0 =	simm.s32 $0x0;
	v9 =	vsub.f32 v4, v62  }
0x4d: {  	[tilespmem:s0+$0xF530] =	vst v60;
	v5 =	vadd.f32 $9.999999960e-13, v5  }
0x4e: {  	[tilespmem:s0+$0xF8B0] =	vst v7;
	v63 =	vadd.f32 $9.999999960e-13, v9  }
0x4f: {  	[tilespmem:s0+$0xEE30] =	vst v62;
	(erf) = vrcp.f32 v5  }
0x50: {  	s1 =	simm.s32 $0x40;
	[tilespmem:s0+$0xF1B0] =	vst v4;
	(erf) = vrcp.f32 v63  }
.LBB2_6:
0x51: {  	_ =	sdelay $0x1  }
0x52: {  	p0 =	sne.s32 s1, $0xCC0;
	s18 =	smov.u32 s1;
	s1 =	sadd.s32 $0x40, s1  }
0x53: {  	v4 =	vld [tilespmem:s0+$0xEAB0]  }
0x54: {  	v5 =	vor.u32 s18, v0;
	v6 =	vor.u32 s18, v3  }
0x55: {  	v7 =	vor.u32 s18, v1;
	v8 =	vor.u32 s18, v2;
	_ =	sdelay $0x1  }
0x56: {  	v9 =	vpop (erf)  }
0x57: {  	v9 =	vmul.f32 v9, v4;
	v10 =	vpop (erf)  }
0x58: {  	v4 =	vmul.f32 v10, v4  }
0x59: {  	[tilespmem:s0+$0xFC30] =	vst v9  }
0x5a: {  	[tilespmem:s0+$0xFFB0] =	vst v4  }
0x5b: {  	v4 =	vld.idx.msk [tilespmem:v8+s23+$0x0], $0xffff  }
0x5c: {  	v9 =	vld.idx.msk [tilespmem:v7+s23+$0x0], $0xffff  }
0x5d: {  	v10 =	vld.idx.msk [tilespmem:v6+s23+$0x0], $0xffff  }
0x5e: {  	v11 =	vld.idx.msk [tilespmem:v5+s22+$0x0], $0xffff  }
0x5f: {  	v5 =	vld.idx.msk [tilespmem:v5+s23+$0x0], $0xffff  }
0x60: {  	v6 =	vld.idx.msk [tilespmem:v6+s22+$0x0], $0xffff  }
0x61: {  	v8 =	vld.idx.msk [tilespmem:v8+s22+$0x0], $0xffff  }
0x62: {  	v7 =	vld.idx.msk [tilespmem:v7+s22+$0x0], $0xffff;
	_ =	sdelay $0x2  }
0x63: {  	v12 =	vmin.f32 v5, v9;
	v5 =	vmax.f32 v5, v9  }
0x64: {  	v9 =	vmin.f32 v4, v10;
	v4 =	vmax.f32 v4, v10  }
0x65: {  	s0 =	sshra.s32 s18, $0x2;
	v10 =	vmin.f32 v8, v6;
	v6 =	vmax.f32 v8, v6;
	v8 =	vmin.f32 v12, v9  }
0x66: {  	v4 =	vmax.f32 v5, v4;
	v9 =	vmin.f32 v11, v7;
	v7 =	vmax.f32 v11, v7;
	[tilespmem:s0+$0xF530] =	vst v8  }
0x67: {  	v5 =	vmin.f32 v9, v10;
	v6 =	vmax.f32 v7, v6;
	[tilespmem:s0+$0xF8B0] =	vst v4;
	v4 =	vsub.f32 v4, v8  }
.Ltmp2:
0x68: {  	[tilespmem:s0+$0xEE30] =	vst v5;
	v5 =	vsub.f32 v6, v5;
	(pc) =	sbr.rel @p0 .LBB2_6-.Ltmp2, $4  }
0x69: {  	[tilespmem:s0+$0xF1B0] =	vst v6;
	v4 =	vadd.f32 $9.999999960e-13, v4  }
0x6a: {  	v5 =	vadd.f32 $9.999999960e-13, v5  }
0x6b: {  	(erf) = vrcp.f32 v4  }
0x6c: {  	(erf) = vrcp.f32 v5  }
0x6d: {  	_ =	sdelay $0x2  }
0x6e: {  	v4 =	vld [tilespmem:s0+$0xEAB0];
	_ =	sdelay $0x3  }
0x6f: {  	v5 =	vpop (erf)  }
0x70: {  	v5 =	vmul.f32 v5, v4;
	v6 =	vpop (erf)  }
0x71: {  	v4 =	vmul.f32 v6, v4  }
0x72: {  	[tilespmem:s0+$0xFC30] =	vst v5  }
0x73: {  	[tilespmem:s0+$0xFFB0] =	vst v4  }
0x74: {  	[hbm4b:s9+s4] =	stream.linear.scatter [tilespmem:s24], [sflag:$0x2], $0x340, $0x38;
	[tilespmem:$0x10330] =	vst v63  }
0x75: {  	_ =	swait.ge [sflag:s17], $0x340  }
0x76: {  	[sflag:s17] =	ssyncset.done $0x0  }
0x77: {  	[sflag:s17] =	ssyncadd.s32 $0xFFFFFCC0  }
0x78: {  	[hbm4b:s10+s4] =	stream.linear.scatter [tilespmem:s25], [sflag:$0x2], $0x340, $0x38;
	[tilespmem:$0x10330] =	vst v63  }
0x79: {  	_ =	swait.ge [sflag:s17], $0x340  }
0x7a: {  	[sflag:s17] =	ssyncset.done $0x0  }
0x7b: {  	[sflag:s17] =	ssyncadd.s32 $0xFFFFFCC0  }
0x7c: {  	[hbm4b:s11+s4] =	stream.linear.scatter [tilespmem:s26], [sflag:$0x2], $0x340, $0x38;
	[tilespmem:$0x10330] =	vst v63  }
0x7d: {  	_ =	swait.ge [sflag:s17], $0x340  }
0x7e: {  	[sflag:s17] =	ssyncset.done $0x0  }
0x7f: {  	[sflag:s17] =	ssyncadd.s32 $0xFFFFFCC0  }
0x80: {  	[hbm4b:s12+s4] =	stream.linear.scatter [tilespmem:s28], [sflag:$0x2], $0x340, $0x38;
	[tilespmem:$0x10330] =	vst v63  }
0x81: {  	_ =	swait.ge [sflag:s17], $0x340  }
0x82: {  	[sflag:s17] =	ssyncset.done $0x0  }
0x83: {  	[sflag:s17] =	ssyncadd.s32 $0xFFFFFCC0  }
0x84: {  	[hbm4b:s13+s4] =	stream.linear.scatter [tilespmem:s29], [sflag:$0x2], $0x340, $0x38;
	[tilespmem:$0x10330] =	vst v63  }
0x85: {  	s31 =	sadd.s32 $0x1, s31;
	_ =	swait.ge [sflag:s17], $0x340  }
0x86: {  	p0 =	sne.s32 s31, s15;
	[sflag:s17] =	ssyncset.done $0x0  }
.Ltmp3:
0x87: {  	[sflag:s17] =	ssyncadd.s32 $0xFFFFFCC0;
	(pc) =	sbr.rel @p0 .LBB2_1-.Ltmp3, $4  }
0x88: {  	[hbm4b:s14+s4] =	stream.linear.scatter [tilespmem:s30], [sflag:$0x2], $0x340, $0x38;
	[tilespmem:$0x10330] =	vst v63  }
0x89: {  	_ =	swait.ge [sflag:s17], $0x340  }
0x8a: {  	[sflag:s17] =	ssyncset.done $0x0  }
0x8b: {  	[sflag:s17] =	ssyncadd.s32 $0xFFFFFCC0  }
0x8c: {  	_ =	sfence.sel $0x180000  }
0x8d: {  	[bflag:$0x0] =	sbarrier.arrive $0xFFFF  }
0x8e: {  	_ =	strace $0x9000004A  }
0x8f: {  	s0 =	stileid.u32;
	[bflag:$0x2] =	sbarrier.arrive $0xFFFF  }
0x90: {  	p0 =	sne.s32 s0, $0x0;
	s0 =	rddreg [dreg:$0x5]  }
0x91: {  	s0 =	sadd.s32 @!p0 $0x100000, s0  }
0x92: {  	[sflag:s0] =	ssyncadd.tile.s32 @!p0 $0x1;
	_ =	shalt  }
.Lfunc_end2:
_tile_overlayer_lowered:
.L_overlay_start_2:
0x93: {  	(tag) =	ssettag $0x2  }
0x94: {  	s0 =	rddreg [dreg:$0x0];
	s2 =	stileid.u32  }
0x95: {  	s1 =	rddreg [dreg:$0x1];
	p0 =	sne.s32 s2, $0x0  }
0x96: {  	s3 =	rddreg [dreg:$0x2];
	[bflag:$0x3] =	sbarrier.arrive $0xFFFF;
	s2 =	simm.s32 @!p0 $0x1C02  }
0x97: {  	[timem:s3], [sflag:s2] =	dma.local @!p0 [hbm:s0], s1  }
0x98: {  	s0 =	simm.s32 @!p0 $0x2  }
0x99: {  	_ =	swait.ge @!p0 [sflag:s0], s1  }
0x9a: {  	s1 =	ssub.s32 @!p0 $0x0, s1;
	[sflag:s0] =	ssyncset.done @!p0 $0x0  }
0x9b: {  	[sflag:s0] =	ssyncadd.s32 @!p0 s1  }
0x9c: {  	[bflag:$0x3] =	sbarrier.arrive $0xFFFF  }
0x9d: {  	_ =	shalt  }

// kernel: kernel.13.cloned.1.call-start
scs
__scs_entry_jumppad:
0x0: {  	(pc) =	sbr.rel $0x88, $3  }
0x1: {  	(tag) =	ssettag $0x0;
	lr =	simm.s32 $0x1  }
0x2: {  	[smem:$0x3F9B] =	sst lr;
	_ =	strace $0xD0000000  }
0x3: {  	_ = 	snop  }
0x4: {  	_ = 	snop  }
0x5: {  	_ = 	snop  }
0x6: {  	_ = 	snop  }
0x7: {  	_ = 	snop  }
__scs_overlays_trampoline_lowered:
0x8: {  	[smem:$0x3FAA] =	sst s0  }
0x9: {  	[smem:$0x3FAB] =	sst s1  }
0xa: {  	[smem:$0x3FAC] =	sst s2  }
0xb: {  	[smem:$0x3FAD] =	sst s3  }
0xc: {  	[smem:$0x3FAE] =	sst s4  }
0xd: {  	[smem:$0x3FAF] =	sst s5  }
0xe: {  	[smem:$0x3FB0] =	sst s6  }
0xf: {  	[smem:$0x3FB1] =	sst s7  }
0x10: {  	[smem:$0x3FB2] =	sst s8  }
0x11: {  	[smem:$0x3FB3] =	sst s9;
	s0 =	simm.s32 @!p0 $0x0  }
0x12: {  	s1 =	sld [smem:$0x3F99];
	s0 =	simm.s32 @p0 $0x1  }
0x13: {  	[smem:$0x3FB4] =	sst s0;
	s0 =	simm.s32 @!p1 $0x0  }
0x14: {  	s2 =	sld [smem:$0x3F98];
	s0 =	simm.s32 @p1 $0x1  }
0x15: {  	[smem:$0x3FB5] =	sst s0;
	s0 =	simm.s32 @!p2 $0x0  }
0x16: {  	s3 =	sld [smem:$0x3FDB];
	s0 =	simm.s32 @p2 $0x1  }
0x17: {  	s4 =	simm.s32 $0x1BF5;
	[smem:$0x3FB7] =	sst s0  }
0x18: {  	s0 =	sld [smem:$0x3F9A];
	_ =	swait.ge [sflag:s4], $0x0  }
0x19: {  	s7 =	sld [smem:$0x3F9B]  }
0x1a: {  	s8 =	sadd.s32 $0xFFFFE003, lr  }
0x1b: {  	s9 =	sadd.s32 $0xFFFFFEF7, lr;
	s5 =	simm.s32 $0xFFFFFFFF;
	p2 =	slt.u32 s8, $0xFFFFF086  }
0x1c: {  	p1 =	slt.u32 s9, $0xF7A;
	s5 =	simm.s32 @!p2 $0x0  }
0x1d: {  	s5 =	simm.s32 @p1 $0x1;
	p0 =	seq.s32 s7, s2  }
0x1e: {  	s7 =	smul.u32 @!p0 $0xF7A, s2;
	p2 =	seq.s32 @!p0 s5, $0x0  }
0x1f: {  	s9 =	smul.u32 $0xF7A, s1;
	s8 =	simm.s32 @!p0 $0x1BF5;
	p2 =	por !p2, p0  }
0x20: {  	[sflag:s8] =	ssyncset.s32 @!p0 $0xFFFFF086;
	s6 =	sadd.s32 @!p0 s3, s7;
	s7 =	simm.s32 @!p0 $0x108  }
0x21: {  	s3 =	sadd.s32 s3, s9;
	s6 =	sadd.s32 @!p0 $0x88, s6;
	s7 =	simm.s32 @p2 $0x1082  }
0x22: {  	[simem:s7], [sflag:s8] =	dma.local @!p0 [hbm:s6], $0xF7A  }
0x23: {  	s9 =	sor.u32 $0xD0000000, s2;
	s6 =	simm.s32 $0x108;
	_ =	swait.ge @!p0 [sflag:s8], $0x0  }
0x24: {  	s3 =	sadd.s32 $0x88, s3;
	s6 =	simm.s32 @!p1 $0x1082;
	[sflag:s4] =	ssyncset.s32 $0xFFFFF086  }
0x25: {  	[simem:s6], [sflag:s4] =	dma.local [hbm:s3], $0xF7A  }
0x26: {  	[smem:$0x3F9B] =	sst s1;
	(tag) =	ssettag s2;
	_ =	strace s9  }
0x27: {  	s1 =	sld [smem:$0x3FAB]  }
0x28: {  	s2 =	sld [smem:$0x3FAC]  }
0x29: {  	s4 =	sld [smem:$0x3FAE]  }
0x2a: {  	p0 =	seq.s32 s5, $0x0;
	s5 =	sld [smem:$0x3FAF]  }
0x2b: {  	s6 =	sld [smem:$0x3FB0]  }
0x2c: {  	s7 =	sld [smem:$0x3FB1]  }
0x2d: {  	s3 =	simm.s32 $0x108;
	s8 =	sld [smem:$0x3FB2]  }
0x2e: {  	s3 =	simm.s32 @!p0 $0x1082;
	s9 =	sld [smem:$0x3FB3]  }
0x2f: {  	lr =	sadd.s32 s0, s3;
	s0 =	sld [smem:$0x3FAA]  }
0x30: {  	s3 =	sld [smem:$0x3FAD]  }
0x31: {  	[smem:$0x3FB6] =	sst s10  }
0x32: {  	s10 =	sld [smem:$0x3FB4];
	_ =	sdelay $0x3  }
0x33: {  	p0 =	seq.s32 s10, $0x1;
	s10 =	sld [smem:$0x3FB6];
	_ =	sdelay $0x3  }
0x34: {  	[smem:$0x3FB6] =	sst s10  }
0x35: {  	s10 =	sld [smem:$0x3FB5];
	_ =	sdelay $0x3  }
0x36: {  	p1 =	seq.s32 s10, $0x1;
	s10 =	sld [smem:$0x3FB6];
	_ =	sdelay $0x3  }
0x37: {  	[smem:$0x3FB6] =	sst s10  }
0x38: {  	s10 =	sld [smem:$0x3FB7]  }
0x39: {  	_ = 	snop;
	(pc) =	sbr.ind lr, $3  }
0x3a: {  	_ = 	snop  }
0x3b: {  	_ = 	snop  }
0x3c: {  	p2 =	seq.s32 s10, $0x1;
	s10 =	sld [smem:$0x3FB6]  }
0x3d: {  	_ =	shalt  }
0x3e: {  	_ =	shalt  }
0x3f: {  	_ =	shalt  }
0x40: {  	_ =	shalt  }
0x41: {  	_ =	shalt  }
0x42: {  	_ =	shalt  }
0x43: {  	_ =	shalt  }
0x44: {  	_ =	shalt  }
0x45: {  	_ =	shalt  }
0x46: {  	_ =	shalt  }
0x47: {  	_ =	shalt  }
0x48: {  	_ =	shalt  }
0x49: {  	_ =	shalt  }
0x4a: {  	_ =	shalt  }
0x4b: {  	_ =	shalt  }
0x4c: {  	_ =	shalt  }
0x4d: {  	_ =	shalt  }
0x4e: {  	_ =	shalt  }
0x4f: {  	_ =	shalt  }
0x50: {  	_ =	shalt  }
0x51: {  	_ =	shalt  }
0x52: {  	_ =	shalt  }
0x53: {  	_ =	shalt  }
0x54: {  	_ =	shalt  }
0x55: {  	_ =	shalt  }
0x56: {  	_ =	shalt  }
0x57: {  	_ =	shalt  }
0x58: {  	_ =	shalt  }
0x59: {  	_ =	shalt  }
0x5a: {  	_ =	shalt  }
0x5b: {  	_ =	shalt  }
0x5c: {  	_ =	shalt  }
0x5d: {  	_ =	shalt  }
0x5e: {  	_ =	shalt  }
0x5f: {  	_ =	shalt  }
0x60: {  	_ =	shalt  }
0x61: {  	_ =	shalt  }
0x62: {  	_ =	shalt  }
0x63: {  	_ =	shalt  }
0x64: {  	_ =	shalt  }
0x65: {  	_ =	shalt  }
0x66: {  	_ =	shalt  }
0x67: {  	_ =	shalt  }
0x68: {  	_ =	shalt  }
0x69: {  	_ =	shalt  }
0x6a: {  	_ =	shalt  }
0x6b: {  	_ =	shalt  }
0x6c: {  	_ =	shalt  }
0x6d: {  	_ =	shalt  }
0x6e: {  	_ =	shalt  }
0x6f: {  	_ =	shalt  }
0x70: {  	_ =	shalt  }
0x71: {  	_ =	shalt  }
0x72: {  	_ =	shalt  }
0x73: {  	_ =	shalt  }
0x74: {  	_ =	shalt  }
0x75: {  	_ =	shalt  }
0x76: {  	_ =	shalt  }
0x77: {  	_ =	shalt  }
0x78: {  	_ =	shalt  }
0x79: {  	_ =	shalt  }
0x7a: {  	_ =	shalt  }
0x7b: {  	_ =	shalt  }
0x7c: {  	_ =	shalt  }
0x7d: {  	_ =	shalt  }
0x7e: {  	_ =	shalt  }
0x7f: {  	_ =	shalt  }
0x80: {  	_ =	shalt  }
0x81: {  	_ =	shalt  }
0x82: {  	_ =	shalt  }
0x83: {  	_ =	shalt  }
0x84: {  	_ =	shalt  }
0x85: {  	_ =	shalt  }
0x86: {  	_ =	shalt  }
0x87: {  	_ =	shalt  }
.Lfunc_end0:
.L_simem_size_0:
called_computation.2_lowered:
.L_overlay_start_0:
0x88: {  	s2 =	sld [smem:$0x3FD9]  }
0x89: {  	s3 =	sld [smem:$0x3FFE];
	_ =	sdelay $0x1  }
0x8a: {  	s1 =	srdreg.scid  }
0x8b: {  	s0 =	sand.u32 $0x1, s1  }
0x8c: {  	s17 =	sshll.u32 s0, $0xA;
	s2 =	sadd.s32 s3, s2  }
0x8d: {  	s2 =	sadd.s32 s2, s17  }
0x8e: {  	[smem:$0x3FC2] =	sst s2  }
0x8f: {  	_ = 	snop  }
0x90: {  	s2 =	sld [smem:$0x3FC9]  }
0x91: {  	s18 =	sld [smem:$0x3FC7]  }
0x92: {  	s4 =	sld [smem:$0x3FC6]  }
0x93: {  	s5 =	sld [smem:$0x3FD0];
	(tm) =	ssettm $0x1  }
0x94: {  	s6 =	sld [smem:$0x3FFB];
	_ =	sdelay $0x3  }
0x95: {  	_ =	strace s6  }
0x96: {  	s6 =	sld [smem:$0x3FFC];
	_ =	sdelay $0x3  }
0x97: {  	_ =	strace s6  }
0x98: {  	s6 =	sld [smem:$0x3FFD];
	_ =	sdelay $0x3  }
0x99: {  	_ =	strace s6  }
0x9a: {  	_ =	strace $0x8FFFFFFF  }
0x9b: {  	s19 =	sld [smem:$0x3FDB];
	_ =	sdelay $0x1  }
0x9c: {  	s7 =	simm.s32 $_scs_section_size  }
0x9d: {  	s8 =	simm.s32 $_size__tile_overlayer_lowered;
	s9 =	simm.s32 $_tile_overlayer_lowered  }
0x9e: {  	s22 =	simm.s32 $0x1BFF;
	s21 =	sshll.u32 s9, $0x1;
	s6 =	sadd.s32 s7, s19  }
0x9f: {  	s10 =	simm.s32 $0x0;
	s20 =	sshll.u32 s8, $0x1;
	s8 =	sadd.s32 s21, s6  }
0xa0: {  	[timem:s10], [sflag:s22] =	dma.local [hbm:s8], s20  }
0xa1: {  	_ =	swait.ge [sflag:s22], s20  }
0xa2: {  	s7 =	ssub.s32 $0x0, s20;
	[sflag:s22] =	ssyncset.done $0x0  }
0xa3: {  	[sflag:s22] =	ssyncadd.s32 s7;
	_ =	sdelay $0x1  }
0xa4: {  	s23 =	simm.s32 $0x1B8B  }
0xa5: {  	_ =	swait.ge [sflag:s23], $0x1  }
0xa6: {  	[sflag:s23] =	ssyncset.done $0x0  }
0xa7: {  	s25 =	simm.s32 $0x1B8E;
	s24 =	sld [smem:$0x3FFE];
	[sflag:s23] =	ssyncadd.s32 $0xFFFFFFFF  }
0xa8: {  	s26 =	simm.s32 $execute0_lowered;
	[smem:$0x3FD2] =	sst s25  }
0xa9: {  	s8 =	sshll.u32 s26, $0x1;
	_ =	strace $0x8000004C;
	[dreg:$0x1] =	wrdreg $0xFFFFFFFF  }
0xaa: {  	s28 =	simm.s32 $_size_execute0_lowered;
	s6 =	sadd.s32 s6, s8;
	[dreg:$0x0] =	wrdreg $0x0  }
0xab: {  	s8 =	sshll.u32 s28, $0x1;
	[dreg:$0x2] =	wrdreg s6  }
0xac: {  	[dreg:$0x3] =	wrdreg s8  }
0xad: {  	[dreg:$0x4] =	wrdreg $0xC0  }
0xae: {  	_ =	task [dreg:s10], $0x5FFFF  }
0xaf: {  	[dreg:$0x1] =	wrdreg $0xFFFFFFFF  }
0xb0: {  	[dreg:$0x0] =	wrdreg $0x60  }
0xb1: {  	[dreg:$0x2] =	wrdreg s24  }
0xb2: {  	[dreg:$0x3] =	wrdreg s2  }
0xb3: {  	[dreg:$0x4] =	wrdreg s18  }
0xb4: {  	[dreg:$0x5] =	wrdreg s4  }
0xb5: {  	[dreg:$0x6] =	wrdreg s5  }
0xb6: {  	[dreg:$0x7] =	wrdreg $0x9  }
0xb7: {  	_ =	task.clear_ibuf [dreg:s10], $0x8FFFF;
	_ =	strace $0x9000004C  }
0xb8: {  	s29 =	simm.s32 $0x9;
	_ =	strace $0x8000004E  }
0xb9: {  	_ =	swait.ge [sflag:s29], $0x1  }
0xba: {  	[sflag:s29] =	ssyncadd.s32 $0xFFFFFFFF  }
0xbb: {  	_ =	strace $0x9000004E  }
0xbc: {  	_ =	sfence  }
0xbd: {  	s30 =	sld [smem:$0x0];
	_ =	sdelay $0x2  }
0xbe: {  	s31 =	sshll.u32 s1, $0xD;
	s1 =	sshrl.u32 s1, $0x2  }
0xbf: {  	s3 =	sand.u32 $0x4000, s31;
	s1 =	sadd.s32 s1, s30  }
0xc0: {  	s0 =	sor.u32 s3, s0;
	s1 =	sshll.u32 s1, $0x11  }
0xc1: {  	s0 =	sor.u32 s1, s0  }
0xc2: {  	s0 =	sadd.s32 $0x8F2B, s0  }
0xc3: {  	[sflag:s0] =	ssyncadd.remote.s32 $0x1  }
0xc4: {  	_ =	sfence.sel $0xFFFF  }
0xc5: {  	[dreg:$0x0] =	wrdreg $0xFFFFFFFF;
	(pc) =	sbr.abs _section_cstart, $3  }
0xc6: {  	[dreg:$0x1] =	wrdreg $0xFFFFFFFF  }
0xc7: {  	_ =	task.clear_ibuf [dreg:s10], $0x2FFFF;
	_ =	strace $0x9FFFFFFF  }
0xc8: {  	(tm) =	ssettm $0x7FFFFFFF  }
0xc9: {  	_ =	shalt  }
tec
execute0_lowered:
.L_overlay_start_1:
0x0: {  	(tag) =	ssettag $0x1  }
0x1: {  	s3 =	rddreg [dreg:$0x0]  }
0x2: {  	s4 =	rddreg [dreg:$0x1]  }
0x3: {  	s6 =	rddreg [dreg:$0x2];
	s1 =	srdreg.scid  }
0x4: {  	s0 =	stileid.u32;
	s7 =	rddreg [dreg:$0x3]  }
0x5: {  	s8 =	rddreg [dreg:$0x4];
	s2 =	simm.s32 $0x0;
	s11 =	simm.s32 $0x10000  }
0x6: {  	s12 =	simm.s32 $0x10680;
	s5 =	sand.u32 $0x1, s1;
	s31 =	sshll.u32 s0, $0x1  }
0x7: {  	s13 =	simm.s32 $0x10D00;
	s1 =	rddreg [dreg:$0x5];
	s15 =	sor.u32 s5, s31  }
0x8: {  	s14 =	simm.s32 $0x11380;
	[smem:$0x7FF] =	sst s2;
	s9 =	smul.u32 $0x640, s15  }
0x9: {  	s3 =	sadd.s32 $0x3200, s3;
	s5 =	ssub.s32 $0x2, s5;
	_ =	strace $0x8000004D  }
0xa: {  	s10 =	sshrl.u32 s5, $0x1;
	p0 =	seq.s32 s15, $0x1F;
	s9 =	sshrl.u32 s9, $0x3  }
0xb: {  	s15 =	simm.s32 $0x0;
	s10 =	ssub.s32 s5, s10;
	s4 =	sadd.s32 s4, s9  }
0xc: {  	s6 =	sadd.s32 s6, s9;
	s7 =	sadd.s32 s7, s9;
	s8 =	sadd.s32 s8, s9  }
0xd: {  	s9 =	smax.u32 s10, $0x1;
	s10 =	simm.s32 $0x1;
	s5 =	sadd.s32 $0x1D4C, s4  }
.LBB2_1:
0xe: {  	[tilespmem:s2], [sflag:$0x1] =	stream.linear.gather [hbm4b:s3+s2], $0x10000, $0x38;
	[tilespmem:$0x12080] =	vst v63  }
0xf: {  	_ =	swait.ge [sflag:s10], $0x10000  }
0x10: {  	[sflag:s10] =	ssyncset.done $0x0  }
0x11: {  	[sflag:s10] =	ssyncadd.s32 $0xFFFF0000  }
0x12: {  	[tilespmem:s11], [sflag:$0x1] =	stream.linear.gather [hbm4b:s4+s2], $0x640, $0x38;
	[tilespmem:$0x12080] =	vst v63  }
0x13: {  	_ =	swait.ge [sflag:s10], $0x640  }
0x14: {  	[sflag:s10] =	ssyncset.done $0x0  }
0x15: {  	[sflag:s10] =	ssyncadd.s32 $0xFFFFF9C0  }
0x16: {  	[tilespmem:s12], [sflag:$0x1] =	stream.linear.gather [hbm4b:s5+s2], $0x640, $0x38;
	[tilespmem:$0x12080] =	vst v63  }
0x17: {  	_ =	swait.ge [sflag:s10], $0x640  }
0x18: {  	[sflag:s10] =	ssyncset.done $0x0  }
0x19: {  	[sflag:s10] =	ssyncadd.s32 $0xFFFFF9C0  }
0x1a: {  	[tilespmem:s13], [sflag:$0x1] =	stream.linear.gather [hbm4b:s6+s2], $0x640, $0x38;
	[tilespmem:$0x12080] =	vst v63  }
0x1b: {  	_ =	swait.ge [sflag:s10], $0x640  }
0x1c: {  	[sflag:s10] =	ssyncset.done $0x0  }
0x1d: {  	[sflag:s10] =	ssyncadd.s32 $0xFFFFF9C0  }
0x1e: {  	[tilespmem:s14], [sflag:$0x1] =	stream.linear.gather [hbm4b:s7+s2], $0x640, $0x38;
	[tilespmem:$0x12080] =	vst v63  }
0x1f: {  	_ =	swait.ge [sflag:s10], $0x640  }
0x20: {  	[sflag:s10] =	ssyncset.done $0x0  }
0x21: {  	s16 =	simm.s32 $0x0;
	[sflag:s10] =	ssyncadd.s32 $0xFFFFF9C0  }
0x22: {  	v4 =	vld [tilespmem:s16+$0x10000]  }
0x23: {  	v0 =	vld [tilespmem:s16+$0x10680];
	_ =	sdelay $0x2  }
0x24: {  	v1 =	vld [tilespmem:s16+$0x10D00]  }
0x25: {  	v2 =	vld [tilespmem:s16+$0x11380];
	v3 =	vmul.f32 $2.500000000e-01, v4  }
0x26: {  	v5 =	vmul.f32 $2.500000000e-01, v0  }
0x27: {  	v3 =	vtrunc.f32 v3  }
0x28: {  	v5 =	vtrunc.f32 v5;
	v3 =	vcvt.f32.s32 v3  }
0x29: {  	v5 =	vcvt.f32.s32 v5  }
0x2a: {  	v6 =	vadd.f32 v1, v4;
	v1 =	vadd.f32 v2, v0;
	v2 =	vadd.s32 $0x1, v3  }
0x2b: {  	v7 =	vadd.s32 $0x2, v3;
	v8 =	vadd.s32 $0x2, v5;
	v9 =	vadd.s32 $0x1, v5  }
0x2c: {  	v10 =	vcvt.s32.f32 v3;
	v11 =	vcvt.s32.f32 v5;
	vm0 =	vlt.s32 v5, $0xFF  }
0x2d: {  	vm1 =	vlt.s32 v3, $0xFF;
	vm2 =	vlt.s32 v7, $0xFF;
	vm3 =	vlt.s32 v2, $0xFF  }
0x2e: {  	vm4 =	vlt.s32 v9, $0xFF;
	vm5 =	vlt.s32 v8, $0xFF;
	v3 =	vnsel vm1, $0xFF, v3  }
0x2f: {  	v5 =	vnsel vm0, $0xFF, v5;
	v2 =	vnsel vm3, $0xFF, v2;
	v9 =	vnsel vm4, $0xFF, v9  }
0x30: {  	v8 =	vnsel vm5, $0xFF, v8;
	v10 =	vmul.f32 $4.000000000e+00, v10;
	v3 =	vshll.u32 v3, $0x8  }
0x31: {  	v11 =	vmul.f32 $4.000000000e+00, v11;
	v2 =	vshll.u32 v2, $0x8;
	v12 =	vadd.s32 v3, v8  }
0x32: {  	v15 =	vadd.s32 v5, v3;
	v13 =	vadd.f32 $4.000000000e+00, v10;
	v14 =	vadd.f32 $8.000000000e+00, v10  }
0x33: {  	v3 =	vadd.s32 v3, v9;
	v10 =	vadd.f32 $0.0e+00, v10;
	v16 =	vadd.f32 $0.0e+00, v11  }
0x34: {  	v17 =	vadd.f32 $4.000000000e+00, v11;
	v11 =	vadd.f32 $8.000000000e+00, v11;
	v18 =	vadd.s32 v8, v2  }
0x35: {  	v21 =	vadd.s32 v9, v2;
	v56 =	vadd.s32 v5, v2;
	v19 =	vadd.f32 $4.000000000e+00, v10  }
0x36: {  	v20 =	vadd.f32 $4.000000000e+00, v16;
	v10 =	vmax.f32 v4, v10;
	v16 =	vmax.f32 v0, v16  }
0x37: {  	v22 =	vadd.f32 $4.000000000e+00, v13;
	v23 =	vadd.f32 $4.000000000e+00, v17;
	v17 =	vmax.f32 v0, v17  }
0x38: {  	v57 =	vadd.f32 $4.000000000e+00, v11;
	v19 =	vmin.f32 v6, v19;
	v20 =	vmin.f32 v1, v20  }
0x39: {  	v0 =	vmax.f32 v0, v11;
	v15 =	vld.idx.msk [tilespmem:v15+s2+$0x0], $0xffff;
	v10 =	vsub.f32 v19, v10;
	v16 =	vsub.f32 v20, v16  }
0x3a: {  	v2 =	vmin.f32 v1, v23;
	v1 =	vmin.f32 v1, v57;
	v11 =	vld.idx.msk [tilespmem:v12+s2+$0x0], $0xffff;
	v12 =	vmax.f32 v4, v13  }
0x3b: {  	v58 =	vld.idx.msk [tilespmem:v3+s2+$0x0], $0xffff;
	v2 =	vsub.f32 v2, v17;
	v10 =	vmax.f32 v10, $0.0e+00;
	v16 =	vmax.f32 v16, $0.0e+00  }
0x3c: {  	v0 =	vsub.f32 v1, v0;
	v1 =	vmin.f32 v6, v22;
	v3 =	vmul.f32 v16, v10  }
0x3d: {  	v7 =	vnsel vm2, $0xFF, v7;
	v1 =	vsub.f32 v1, v12;
	v2 =	vmax.f32 v2, $0.0e+00  }
0x3e: {  	v7 =	vshll.u32 v7, $0x8;
	v13 =	vmul.f32 v3, v15;
	v15 =	vmul.f32 v2, v10  }
0x3f: {  	s17 =	simm.s32 $0x10;
	v5 =	vadd.s32 v5, v7;
	v59 =	vld.idx.msk [tilespmem:v56+s2+$0x0], $0xffff;
	v60 =	vmax.f32 v1, $0.0e+00;
	v3 =	vmax.f32 v0, $0.0e+00  }
0x40: {  	v1 =	vld [tilespmem:s17+$0x10680];
	v10 =	vmul.f32 v3, v10;
	v12 =	vadd.f32 $0.0e+00, v13;
	v13 =	vmul.f32 v15, v58  }
0x41: {  	v9 =	vadd.s32 v9, v7;
	v61 =	vadd.f32 $4.000000000e+00, v14;
	v15 =	vld.idx.msk [tilespmem:v21+s2+$0x0], $0xffff  }
0x42: {  	v0 =	vld [tilespmem:s17+$0x10000];
	v10 =	vmul.f32 v10, v11;
	v11 =	vmul.f32 v16, v60;
	v12 =	vadd.f32 v12, v13  }
0x43: {  	v8 =	vadd.s32 v8, v7;
	v14 =	vmax.f32 v4, v14;
	v62 =	vmin.f32 v6, v61;
	v13 =	vld.idx.msk [tilespmem:v18+s2+$0x0], $0xffff  }
0x44: {  	v4 =	vld [tilespmem:s17+$0x10D00];
	v7 =	vadd.f32 v12, v10;
	v10 =	vmul.f32 v11, v59;
	v11 =	vmul.f32 v2, v60  }
0x45: {  	v6 =	vld.idx.msk [tilespmem:v5+s2+$0x0], $0xffff;
	v12 =	vsub.f32 v62, v14  }
0x46: {  	v5 =	vld [tilespmem:s17+$0x11380];
	v63 =	vmul.f32 v3, v60;
	v14 =	vadd.f32 v7, v10;
	v15 =	vmul.f32 v11, v15  }
0x47: {  	v7 =	vld.idx.msk [tilespmem:v9+s2+$0x0], $0xffff;
	v10 =	vmul.f32 $2.500000000e-01, v0;
	v11 =	vmul.f32 $2.500000000e-01, v1;
	v9 =	vmax.f32 v12, $0.0e+00  }
0x48: {  	s18 =	simm.s32 $0x80;
	v8 =	vld.idx.msk [tilespmem:v8+s2+$0x0], $0xffff;
	v13 =	vmul.f32 v63, v13;
	v12 =	vadd.f32 v14, v15;
	v14 =	vmul.f32 v16, v9  }
.LBB2_2:
0x49: {  	p1 =	sne.s32 s18, $0x18C0;
	v15 =	vadd.f32 v4, v0;
	v4 =	vtrunc.f32 v10;
	v10 =	vtrunc.f32 v11  }
0x4a: {  	v2 =	vmul.f32 v2, v9;
	v11 =	vadd.f32 v12, v13;
	v6 =	vmul.f32 v14, v6  }
0x4b: {  	v5 =	vadd.f32 v5, v1;
	v4 =	vcvt.f32.s32 v4;
	v10 =	vcvt.f32.s32 v10  }
0x4c: {  	v3 =	vmul.f32 v3, v9;
	v2 =	vmul.f32 v7, v2;
	v6 =	vadd.f32 v11, v6  }
0x4d: {  	v7 =	vadd.s32 $0x1, v4;
	v9 =	vadd.s32 $0x2, v4;
	v11 =	vadd.s32 $0x2, v10  }
0x4e: {  	v12 =	vadd.s32 $0x1, v10;
	v3 =	vmul.f32 v8, v3;
	v2 =	vadd.f32 v6, v2  }
0x4f: {  	vm0 =	vlt.s32 v10, $0xFF;
	v8 =	vcvt.s32.f32 v10;
	v6 =	vcvt.s32.f32 v4  }
0x50: {  	vm1 =	vlt.s32 v4, $0xFF;
	vm2 =	vlt.s32 v9, $0xFF;
	v2 =	vadd.f32 v2, v3  }
0x51: {  	vm3 =	vlt.s32 v7, $0xFF;
	vm4 =	vlt.s32 v12, $0xFF;
	vm5 =	vlt.s32 v11, $0xFF  }
0x52: {  	v9 =	vnsel vm2, $0xFF, v9;
	v3 =	vnsel vm1, $0xFF, v4;
	v4 =	vnsel vm0, $0xFF, v10;
	[tilespmem:s16+$0x11A00] =	vst v2;
	s16 =	smov.u32 s17  }
0x53: {  	v10 =	vnsel vm5, $0xFF, v11;
	v2 =	vnsel vm3, $0xFF, v7;
	v7 =	vnsel vm4, $0xFF, v12  }
0x54: {  	v8 =	vmul.f32 $4.000000000e+00, v8;
	v6 =	vmul.f32 $4.000000000e+00, v6;
	v3 =	vshll.u32 v3, $0x8  }
0x55: {  	v9 =	vshll.u32 v9, $0x8;
	v11 =	vadd.s32 v3, v10;
	v2 =	vshll.u32 v2, $0x8  }
0x56: {  	v12 =	vadd.f32 $4.000000000e+00, v6;
	v13 =	vadd.f32 $8.000000000e+00, v6;
	v14 =	vadd.s32 v4, v3  }
0x57: {  	v16 =	vadd.f32 $0.0e+00, v8;
	v6 =	vadd.f32 $0.0e+00, v6;
	v3 =	vadd.s32 v3, v7  }
0x58: {  	v17 =	vadd.f32 $4.000000000e+00, v8;
	v8 =	vadd.f32 $8.000000000e+00, v8;
	v18 =	vadd.s32 v10, v2  }
0x59: {  	v20 =	vadd.f32 $4.000000000e+00, v16;
	v19 =	vadd.f32 $4.000000000e+00, v6;
	v21 =	vadd.s32 v7, v2  }
0x5a: {  	v16 =	vmax.f32 v1, v16;
	v6 =	vmax.f32 v0, v6;
	v22 =	vadd.f32 $4.000000000e+00, v12  }
0x5b: {  	v23 =	vadd.f32 $4.000000000e+00, v17;
	v20 =	vmin.f32 v5, v20;
	v19 =	vmin.f32 v15, v19;
	v14 =	vld.idx.msk [tilespmem:v14+s2+$0x0], $0xffff  }
0x5c: {  	v16 =	vsub.f32 v20, v16;
	v6 =	vsub.f32 v19, v6;
	v19 =	vadd.s32 v4, v2  }
0x5d: {  	v17 =	vmax.f32 v1, v17;
	v20 =	vadd.f32 $4.000000000e+00, v8;
	v2 =	vmin.f32 v5, v23;
	v23 =	vld.idx.msk [tilespmem:v3+s2+$0x0], $0xffff  }
0x5e: {  	v16 =	vmax.f32 v16, $0.0e+00;
	v2 =	vsub.f32 v2, v17;
	v6 =	vmax.f32 v6, $0.0e+00  }
0x5f: {  	v1 =	vmax.f32 v1, v8;
	v3 =	vmin.f32 v5, v20;
	v5 =	vmul.f32 v16, v6;
	v8 =	vld.idx.msk [tilespmem:v11+s2+$0x0], $0xffff  }
0x60: {  	v2 =	vmax.f32 v2, $0.0e+00;
	v1 =	vsub.f32 v3, v1;
	v11 =	vmax.f32 v0, v12  }
0x61: {  	s17 =	sshra.s32 s18, $0x2;
	v3 =	vmin.f32 v15, v22;
	v12 =	vmul.f32 v2, v6;
	v5 =	vmul.f32 v5, v14;
	v14 =	vld.idx.msk [tilespmem:v19+s2+$0x0], $0xffff  }
0x62: {  	v11 =	vsub.f32 v3, v11;
	v3 =	vmax.f32 v1, $0.0e+00;
	v19 =	vadd.s32 v4, v9;
	v17 =	vld [tilespmem:s17+$0x10000]  }
0x63: {  	v6 =	vmul.f32 v3, v6;
	v4 =	vadd.f32 $0.0e+00, v5;
	v5 =	vmul.f32 v12, v23;
	v12 =	vld.idx.msk [tilespmem:v21+s2+$0x0], $0xffff  }
0x64: {  	v7 =	vadd.s32 v7, v9;
	v20 =	vadd.f32 $4.000000000e+00, v13;
	v11 =	vmax.f32 v11, $0.0e+00;
	v1 =	vld [tilespmem:s17+$0x10680]  }
0x65: {  	v5 =	vadd.f32 v4, v5;
	v6 =	vmul.f32 v6, v8;
	v8 =	vmul.f32 v16, v11;
	v18 =	vld.idx.msk [tilespmem:v18+s2+$0x0], $0xffff  }
0x66: {  	v15 =	vmin.f32 v15, v20;
	v20 =	vadd.s32 v10, v9;
	v21 =	vmax.f32 v0, v13;
	v4 =	vld [tilespmem:s17+$0x10D00]  }
.Ltmp0:
0x67: {  	v10 =	vmul.f32 v2, v11;
	v9 =	vadd.f32 v5, v6;
	v8 =	vmul.f32 v8, v14;
	v6 =	vld.idx.msk [tilespmem:v19+s2+$0x0], $0xffff;
	(pc) =	sbr.rel @p1 .LBB2_2-.Ltmp0, $4  }
0x68: {  	v13 =	vsub.f32 v15, v21;
	v0 =	vmov v17;
	v5 =	vld [tilespmem:s17+$0x11380]  }
0x69: {  	v14 =	vmul.f32 v3, v11;
	v8 =	vadd.f32 v9, v8;
	v12 =	vmul.f32 v10, v12;
	v7 =	vld.idx.msk [tilespmem:v7+s2+$0x0], $0xffff  }
0x6a: {  	v10 =	vmul.f32 $2.500000000e-01, v0;
	v9 =	vmax.f32 v13, $0.0e+00;
	v11 =	vmul.f32 $2.500000000e-01, v1  }
0x6b: {  	s18 =	sadd.s32 $0x40, s18;
	v12 =	vadd.f32 v8, v12;
	v13 =	vmul.f32 v14, v18;
	v14 =	vmul.f32 v16, v9;
	v8 =	vld.idx.msk [tilespmem:v20+s2+$0x0], $0xffff  }
0x6c: {  	v10 =	vtrunc.f32 v10  }
0x6d: {  	v11 =	vtrunc.f32 v11;
	v2 =	vmul.f32 v2, v9  }
0x6e: {  	v3 =	vmul.f32 v3, v9;
	v12 =	vadd.f32 v12, v13;
	v6 =	vmul.f32 v14, v6  }
0x6f: {  	v4 =	vadd.f32 v4, v0;
	v10 =	vcvt.f32.s32 v10;
	v11 =	vcvt.f32.s32 v11  }
0x70: {  	v5 =	vadd.f32 v5, v1;
	v2 =	vmul.f32 v7, v2;
	v6 =	vadd.f32 v12, v6  }
0x71: {  	v25 =	vadd.s32 $0x1, v10;
	v26 =	vadd.s32 $0x2, v10;
	v27 =	vadd.s32 $0x2, v11  }
0x72: {  	v28 =	vadd.s32 $0x1, v11;
	v29 =	vcvt.s32.f32 v10;
	v30 =	vcvt.s32.f32 v11  }
0x73: {  	vm0 =	vlt.s32 v11, $0xFF;
	vm1 =	vlt.s32 v10, $0xFF;
	v3 =	vmul.f32 v8, v3  }
0x74: {  	vm2 =	vlt.s32 v26, $0xFF;
	vm3 =	vlt.s32 v25, $0xFF;
	vm4 =	vlt.s32 v28, $0xFF  }
0x75: {  	vm5 =	vlt.s32 v27, $0xFF;
	v31 =	vnsel vm1, $0xFF, v10;
	v32 =	vnsel vm0, $0xFF, v11  }
0x76: {  	v2 =	vadd.f32 v6, v2;
	v9 =	vnsel vm2, $0xFF, v26;
	v7 =	vnsel vm3, $0xFF, v25  }
0x77: {  	v33 =	vnsel vm4, $0xFF, v28;
	v12 =	vnsel vm5, $0xFF, v27;
	v6 =	vmul.f32 $4.000000000e+00, v29  }
0x78: {  	v8 =	vmul.f32 $4.000000000e+00, v30;
	v7 =	vshll.u32 v7, $0x8;
	v2 =	vadd.f32 v2, v3  }
0x79: {  	v9 =	vshll.u32 v9, $0x8;
	v35 =	vadd.f32 $4.000000000e+00, v6;
	v15 =	vadd.f32 $8.000000000e+00, v6  }
0x7a: {  	v3 =	vshll.u32 v31, $0x8;
	v6 =	vadd.f32 $0.0e+00, v6;
	v17 =	vadd.f32 $0.0e+00, v8  }
0x7b: {  	v18 =	vadd.f32 $4.000000000e+00, v8;
	v8 =	vadd.f32 $8.000000000e+00, v8;
	v16 =	vadd.s32 v32, v3  }
0x7c: {  	v19 =	vadd.s32 v12, v7;
	v22 =	vadd.s32 v33, v7;
	v34 =	vadd.s32 v3, v12  }
0x7d: {  	v3 =	vadd.s32 v3, v33;
	v20 =	vadd.f32 $4.000000000e+00, v6;
	v21 =	vadd.f32 $4.000000000e+00, v17  }
0x7e: {  	v6 =	vmax.f32 v0, v6;
	v17 =	vmax.f32 v1, v17;
	v23 =	vadd.f32 $4.000000000e+00, v35  }
0x7f: {  	[tilespmem:s16+$0x11A00] =	vst v2;
	v38 =	vadd.f32 $4.000000000e+00, v18;
	v36 =	vmin.f32 v4, v20;
	v37 =	vmin.f32 v5, v21  }
0x80: {  	v7 =	vadd.s32 v32, v7;
	v2 =	vsub.f32 v36, v6;
	v39 =	vsub.f32 v37, v17;
	v16 =	vld.idx.msk [tilespmem:v16+s2+$0x0], $0xffff  }
0x81: {  	v18 =	vmax.f32 v1, v18;
	v41 =	vadd.f32 $4.000000000e+00, v8;
	v40 =	vmin.f32 v5, v38  }
0x82: {  	v17 =	vsub.f32 v40, v18;
	v3 =	vld.idx.msk [tilespmem:v3+s2+$0x0], $0xffff;
	v2 =	vmax.f32 v2, $0.0e+00;
	v6 =	vmax.f32 v39, $0.0e+00  }
0x83: {  	v42 =	vmax.f32 v1, v8;
	v5 =	vmin.f32 v5, v41;
	v43 =	vmul.f32 v6, v2  }
0x84: {  	v14 =	vmax.f32 v0, v35;
	v1 =	vsub.f32 v5, v42;
	v13 =	vld.idx.msk [tilespmem:v34+s2+$0x0], $0xffff;
	v17 =	vmax.f32 v17, $0.0e+00  }
0x85: {  	v44 =	vmin.f32 v4, v23;
	v45 =	vmul.f32 v17, v2;
	v8 =	vmul.f32 v43, v16  }
0x86: {  	v10 =	vadd.s32 v32, v9;
	v7 =	vld.idx.msk [tilespmem:v7+s2+$0x0], $0xffff;
	v5 =	vsub.f32 v44, v14;
	v1 =	vmax.f32 v1, $0.0e+00  }
0x87: {  	v2 =	vmul.f32 v1, v2;
	v3 =	vmul.f32 v45, v3;
	v8 =	vadd.f32 $0.0e+00, v8  }
0x88: {  	v11 =	vadd.s32 v33, v9;
	v47 =	vadd.f32 $4.000000000e+00, v15;
	v46 =	vld.idx.msk [tilespmem:v22+s2+$0x0], $0xffff;
	v5 =	vmax.f32 v5, $0.0e+00  }
0x89: {  	v48 =	vmul.f32 v6, v5;
	v2 =	vmul.f32 v2, v13;
	v3 =	vadd.f32 v8, v3  }
0x8a: {  	v9 =	vadd.s32 v12, v9;
	v50 =	vmax.f32 v0, v15;
	v4 =	vmin.f32 v4, v47;
	v49 =	vld.idx.msk [tilespmem:v19+s2+$0x0], $0xffff  }
0x8b: {  	v52 =	vmul.f32 v17, v5;
	v51 =	vmul.f32 v48, v7;
	v2 =	vadd.f32 v3, v2  }
0x8c: {  	v53 =	vld.idx.msk [tilespmem:v10+s2+$0x0], $0xffff;
	v0 =	vsub.f32 v4, v50  }
0x8d: {  	v55 =	vmul.f32 v1, v5;
	v54 =	vmul.f32 v52, v46;
	v2 =	vadd.f32 v2, v51  }
0x8e: {  	v56 =	vld.idx.msk [tilespmem:v11+s2+$0x0], $0xffff;
	v0 =	vmax.f32 v0, $0.0e+00  }
0x8f: {  	v58 =	vmul.f32 v6, v0;
	v57 =	vmul.f32 v55, v49;
	v2 =	vadd.f32 v2, v54  }
0x90: {  	v59 =	vld.idx.msk [tilespmem:v9+s2+$0x0], $0xffff  }
0x91: {  	v61 =	vmul.f32 v17, v0;
	v60 =	vmul.f32 v58, v53;
	v2 =	vadd.f32 v2, v57;
	_ =	sdelay $0x1  }
0x92: {  	v0 =	vmul.f32 v1, v0;
	v62 =	vmul.f32 v56, v61;
	v2 =	vadd.f32 v2, v60;
	_ =	sdelay $0x1  }
0x93: {  	v0 =	vmul.f32 v59, v0;
	v63 =	vadd.f32 v2, v62;
	_ =	sdelay $0x1  }
0x94: {  	v0 =	vadd.f32 v63, v0;
	_ =	sdelay $0x1  }
0x95: {  	s16 =	simm.s32 @p0 $0x0;
	[tilespmem:s17+$0x11A00] =	vst v0;
	s17 =	simm.s32 @p0 $0x11A00  }
0x96: {  	[hbm4b:s8+s16] =	stream.linear.scatter @p0 [tilespmem:s17], [sflag:$0x1], $0x190, $0x38;
	[tilespmem:$0x12080] =	vst v63  }
0x97: {  	s16 =	simm.s32 @p0 $0x1  }
0x98: {  	s15 =	sadd.s32 $0x1, s15;
	_ =	swait.ge @p0 [sflag:s16], $0x190  }
0x99: {  	p1 =	sne.s32 s15, s9;
	[sflag:s16] =	ssyncset.done @p0 $0x0  }
0x9a: {  	s17 =	simm.s32 @!p0 $0x11A00;
	[sflag:s16] =	ssyncadd.s32 @p0 $0xFFFFFE70;
	s16 =	simm.s32 @!p0 $0x0  }
0x9b: {  	[hbm4b:s8+s16] =	stream.linear.scatter @!p0 [tilespmem:s17], [sflag:$0x1], $0x640, $0x38;
	[tilespmem:$0x12080] =	vst v63  }
.Ltmp1:
0x9c: {  	_ = 	snop;
	(pc) =	sbr.rel @p1 .LBB2_1-.Ltmp1, $4  }
0x9d: {  	s16 =	simm.s32 @!p0 $0x1  }
0x9e: {  	_ =	swait.ge @!p0 [sflag:s16], $0x640  }
0x9f: {  	[sflag:s16] =	ssyncset.done @!p0 $0x0  }
0xa0: {  	[sflag:s16] =	ssyncadd.s32 @!p0 $0xFFFFF9C0  }
0xa1: {  	_ =	sfence.sel $0x180000  }
0xa2: {  	[bflag:$0x0] =	sbarrier.arrive $0xFFFF  }
0xa3: {  	p0 =	sne.s32 s0, $0x0;
	_ =	strace $0x9000004D  }
0xa4: {  	s0 =	sadd.s32 @!p0 $0x100000, s1;
	[bflag:$0x2] =	sbarrier.arrive $0xFFFF  }
0xa5: {  	[sflag:s0] =	ssyncadd.tile.s32 @!p0 $0x1;
	_ =	shalt  }
.Lfunc_end2:
_tile_overlayer_lowered:
.L_overlay_start_2:
0xa6: {  	(tag) =	ssettag $0x2  }
0xa7: {  	s0 =	rddreg [dreg:$0x0];
	s2 =	stileid.u32  }
0xa8: {  	s1 =	rddreg [dreg:$0x1];
	p0 =	sne.s32 s2, $0x0  }
0xa9: {  	s3 =	rddreg [dreg:$0x2];
	[bflag:$0x3] =	sbarrier.arrive $0xFFFF;
	s2 =	simm.s32 @!p0 $0x1C01  }
0xaa: {  	[timem:s3], [sflag:s2] =	dma.local @!p0 [hbm:s0], s1  }
0xab: {  	s0 =	simm.s32 @!p0 $0x1  }
0xac: {  	_ =	swait.ge @!p0 [sflag:s0], s1  }
0xad: {  	s1 =	ssub.s32 @!p0 $0x0, s1;
	[sflag:s0] =	ssyncset.done @!p0 $0x0  }
0xae: {  	[sflag:s0] =	ssyncadd.s32 @!p0 s1  }
0xaf: {  	[bflag:$0x3] =	sbarrier.arrive $0xFFFF  }
0xb0: {  	_ =	shalt  }

// kernel: kernel.7.cloned.1.call-start
scs
__scs_entry_jumppad:
0x0: {  	(pc) =	sbr.rel $0x88, $3  }
0x1: {  	(tag) =	ssettag $0x0;
	lr =	simm.s32 $0x1  }
0x2: {  	[smem:$0x3F9B] =	sst lr;
	_ =	strace $0xD0000000  }
0x3: {  	_ = 	snop  }
0x4: {  	_ = 	snop  }
0x5: {  	_ = 	snop  }
0x6: {  	_ = 	snop  }
0x7: {  	_ = 	snop  }
__scs_overlays_trampoline_lowered:
0x8: {  	[smem:$0x3FAA] =	sst s0  }
0x9: {  	[smem:$0x3FAB] =	sst s1  }
0xa: {  	[smem:$0x3FAC] =	sst s2  }
0xb: {  	[smem:$0x3FAD] =	sst s3  }
0xc: {  	[smem:$0x3FAE] =	sst s4  }
0xd: {  	[smem:$0x3FAF] =	sst s5  }
0xe: {  	[smem:$0x3FB0] =	sst s6  }
0xf: {  	[smem:$0x3FB1] =	sst s7  }
0x10: {  	[smem:$0x3FB2] =	sst s8  }
0x11: {  	[smem:$0x3FB3] =	sst s9;
	s0 =	simm.s32 @!p0 $0x0  }
0x12: {  	s1 =	sld [smem:$0x3F99];
	s0 =	simm.s32 @p0 $0x1  }
0x13: {  	[smem:$0x3FB4] =	sst s0;
	s0 =	simm.s32 @!p1 $0x0  }
0x14: {  	s2 =	sld [smem:$0x3F98];
	s0 =	simm.s32 @p1 $0x1  }
0x15: {  	[smem:$0x3FB5] =	sst s0;
	s0 =	simm.s32 @!p2 $0x0  }
0x16: {  	s3 =	sld [smem:$0x3FDB];
	s0 =	simm.s32 @p2 $0x1  }
0x17: {  	s4 =	simm.s32 $0x1BF5;
	[smem:$0x3FB7] =	sst s0  }
0x18: {  	s0 =	sld [smem:$0x3F9A];
	_ =	swait.ge [sflag:s4], $0x0  }
0x19: {  	s7 =	sld [smem:$0x3F9B]  }
0x1a: {  	s8 =	sadd.s32 $0xFFFFE003, lr  }
0x1b: {  	s9 =	sadd.s32 $0xFFFFFEF7, lr;
	s5 =	simm.s32 $0xFFFFFFFF;
	p2 =	slt.u32 s8, $0xFFFFF086  }
0x1c: {  	p1 =	slt.u32 s9, $0xF7A;
	s5 =	simm.s32 @!p2 $0x0  }
0x1d: {  	s5 =	simm.s32 @p1 $0x1;
	p0 =	seq.s32 s7, s2  }
0x1e: {  	s7 =	smul.u32 @!p0 $0xF7A, s2;
	p2 =	seq.s32 @!p0 s5, $0x0  }
0x1f: {  	s9 =	smul.u32 $0xF7A, s1;
	s8 =	simm.s32 @!p0 $0x1BF5;
	p2 =	por !p2, p0  }
0x20: {  	[sflag:s8] =	ssyncset.s32 @!p0 $0xFFFFF086;
	s6 =	sadd.s32 @!p0 s3, s7;
	s7 =	simm.s32 @!p0 $0x108  }
0x21: {  	s3 =	sadd.s32 s3, s9;
	s6 =	sadd.s32 @!p0 $0x88, s6;
	s7 =	simm.s32 @p2 $0x1082  }
0x22: {  	[simem:s7], [sflag:s8] =	dma.local @!p0 [hbm:s6], $0xF7A  }
0x23: {  	s9 =	sor.u32 $0xD0000000, s2;
	s6 =	simm.s32 $0x108;
	_ =	swait.ge @!p0 [sflag:s8], $0x0  }
0x24: {  	s3 =	sadd.s32 $0x88, s3;
	s6 =	simm.s32 @!p1 $0x1082;
	[sflag:s4] =	ssyncset.s32 $0xFFFFF086  }
0x25: {  	[simem:s6], [sflag:s4] =	dma.local [hbm:s3], $0xF7A  }
0x26: {  	[smem:$0x3F9B] =	sst s1;
	(tag) =	ssettag s2;
	_ =	strace s9  }
0x27: {  	s1 =	sld [smem:$0x3FAB]  }
0x28: {  	s2 =	sld [smem:$0x3FAC]  }
0x29: {  	s4 =	sld [smem:$0x3FAE]  }
0x2a: {  	p0 =	seq.s32 s5, $0x0;
	s5 =	sld [smem:$0x3FAF]  }
0x2b: {  	s6 =	sld [smem:$0x3FB0]  }
0x2c: {  	s7 =	sld [smem:$0x3FB1]  }
0x2d: {  	s3 =	simm.s32 $0x108;
	s8 =	sld [smem:$0x3FB2]  }
0x2e: {  	s3 =	simm.s32 @!p0 $0x1082;
	s9 =	sld [smem:$0x3FB3]  }
0x2f: {  	lr =	sadd.s32 s0, s3;
	s0 =	sld [smem:$0x3FAA]  }
0x30: {  	s3 =	sld [smem:$0x3FAD]  }
0x31: {  	[smem:$0x3FB6] =	sst s10  }
0x32: {  	s10 =	sld [smem:$0x3FB4];
	_ =	sdelay $0x3  }
0x33: {  	p0 =	seq.s32 s10, $0x1;
	s10 =	sld [smem:$0x3FB6];
	_ =	sdelay $0x3  }
0x34: {  	[smem:$0x3FB6] =	sst s10  }
0x35: {  	s10 =	sld [smem:$0x3FB5];
	_ =	sdelay $0x3  }
0x36: {  	p1 =	seq.s32 s10, $0x1;
	s10 =	sld [smem:$0x3FB6];
	_ =	sdelay $0x3  }
0x37: {  	[smem:$0x3FB6] =	sst s10  }
0x38: {  	s10 =	sld [smem:$0x3FB7]  }
0x39: {  	_ = 	snop;
	(pc) =	sbr.ind lr, $3  }
0x3a: {  	_ = 	snop  }
0x3b: {  	_ = 	snop  }
0x3c: {  	p2 =	seq.s32 s10, $0x1;
	s10 =	sld [smem:$0x3FB6]  }
0x3d: {  	_ =	shalt  }
0x3e: {  	_ =	shalt  }
0x3f: {  	_ =	shalt  }
0x40: {  	_ =	shalt  }
0x41: {  	_ =	shalt  }
0x42: {  	_ =	shalt  }
0x43: {  	_ =	shalt  }
0x44: {  	_ =	shalt  }
0x45: {  	_ =	shalt  }
0x46: {  	_ =	shalt  }
0x47: {  	_ =	shalt  }
0x48: {  	_ =	shalt  }
0x49: {  	_ =	shalt  }
0x4a: {  	_ =	shalt  }
0x4b: {  	_ =	shalt  }
0x4c: {  	_ =	shalt  }
0x4d: {  	_ =	shalt  }
0x4e: {  	_ =	shalt  }
0x4f: {  	_ =	shalt  }
0x50: {  	_ =	shalt  }
0x51: {  	_ =	shalt  }
0x52: {  	_ =	shalt  }
0x53: {  	_ =	shalt  }
0x54: {  	_ =	shalt  }
0x55: {  	_ =	shalt  }
0x56: {  	_ =	shalt  }
0x57: {  	_ =	shalt  }
0x58: {  	_ =	shalt  }
0x59: {  	_ =	shalt  }
0x5a: {  	_ =	shalt  }
0x5b: {  	_ =	shalt  }
0x5c: {  	_ =	shalt  }
0x5d: {  	_ =	shalt  }
0x5e: {  	_ =	shalt  }
0x5f: {  	_ =	shalt  }
0x60: {  	_ =	shalt  }
0x61: {  	_ =	shalt  }
0x62: {  	_ =	shalt  }
0x63: {  	_ =	shalt  }
0x64: {  	_ =	shalt  }
0x65: {  	_ =	shalt  }
0x66: {  	_ =	shalt  }
0x67: {  	_ =	shalt  }
0x68: {  	_ =	shalt  }
0x69: {  	_ =	shalt  }
0x6a: {  	_ =	shalt  }
0x6b: {  	_ =	shalt  }
0x6c: {  	_ =	shalt  }
0x6d: {  	_ =	shalt  }
0x6e: {  	_ =	shalt  }
0x6f: {  	_ =	shalt  }
0x70: {  	_ =	shalt  }
0x71: {  	_ =	shalt  }
0x72: {  	_ =	shalt  }
0x73: {  	_ =	shalt  }
0x74: {  	_ =	shalt  }
0x75: {  	_ =	shalt  }
0x76: {  	_ =	shalt  }
0x77: {  	_ =	shalt  }
0x78: {  	_ =	shalt  }
0x79: {  	_ =	shalt  }
0x7a: {  	_ =	shalt  }
0x7b: {  	_ =	shalt  }
0x7c: {  	_ =	shalt  }
0x7d: {  	_ =	shalt  }
0x7e: {  	_ =	shalt  }
0x7f: {  	_ =	shalt  }
0x80: {  	_ =	shalt  }
0x81: {  	_ =	shalt  }
0x82: {  	_ =	shalt  }
0x83: {  	_ =	shalt  }
0x84: {  	_ =	shalt  }
0x85: {  	_ =	shalt  }
0x86: {  	_ =	shalt  }
0x87: {  	_ =	shalt  }
.Lfunc_end0:
.L_simem_size_0:
called_computation_lowered:
.L_overlay_start_0:
0x88: {  	s2 =	sld [smem:$0x3FD9]  }
0x89: {  	s3 =	sld [smem:$0x3FFE];
	_ =	sdelay $0x1  }
0x8a: {  	s1 =	srdreg.scid  }
0x8b: {  	s0 =	sand.u32 $0x1, s1  }
0x8c: {  	s17 =	sshll.u32 s0, $0xA;
	s2 =	sadd.s32 s3, s2  }
0x8d: {  	s2 =	sadd.s32 s2, s17  }
0x8e: {  	[smem:$0x3FC2] =	sst s2  }
0x8f: {  	_ = 	snop  }
0x90: {  	s2 =	sld [smem:$0x3FC8]  }
0x91: {  	s18 =	sld [smem:$0x3FC5]  }
0x92: {  	s4 =	sld [smem:$0x3FC4];
	(tm) =	ssettm $0x1  }
0x93: {  	s5 =	sld [smem:$0x3FFB];
	_ =	sdelay $0x3  }
0x94: {  	_ =	strace s5  }
0x95: {  	s5 =	sld [smem:$0x3FFC];
	_ =	sdelay $0x3  }
0x96: {  	_ =	strace s5  }
0x97: {  	s5 =	sld [smem:$0x3FFD];
	_ =	sdelay $0x3  }
0x98: {  	_ =	strace s5  }
0x99: {  	_ =	strace $0x8FFFFFFF  }
0x9a: {  	s19 =	sld [smem:$0x3FDB];
	_ =	sdelay $0x1  }
0x9b: {  	s6 =	simm.s32 $_scs_section_size  }
0x9c: {  	s7 =	simm.s32 $_size__tile_overlayer_lowered;
	s8 =	simm.s32 $_tile_overlayer_lowered  }
0x9d: {  	s22 =	simm.s32 $0x1BFF;
	s21 =	sshll.u32 s8, $0x1;
	s5 =	sadd.s32 s6, s19  }
0x9e: {  	s9 =	simm.s32 $0x0;
	s20 =	sshll.u32 s7, $0x1;
	s7 =	sadd.s32 s21, s5  }
0x9f: {  	[timem:s9], [sflag:s22] =	dma.local [hbm:s7], s20  }
0xa0: {  	_ =	swait.ge [sflag:s22], s20  }
0xa1: {  	s6 =	ssub.s32 $0x0, s20;
	[sflag:s22] =	ssyncset.done $0x0  }
0xa2: {  	[sflag:s22] =	ssyncadd.s32 s6;
	_ =	sdelay $0x1  }
0xa3: {  	s23 =	simm.s32 $0x1B8B  }
0xa4: {  	_ =	swait.ge [sflag:s23], $0x1  }
0xa5: {  	[sflag:s23] =	ssyncset.done $0x0  }
0xa6: {  	s25 =	simm.s32 $0x1B8E;
	s24 =	sld [smem:$0x3FFE];
	[sflag:s23] =	ssyncadd.s32 $0xFFFFFFFF  }
0xa7: {  	s26 =	simm.s32 $execute0_lowered;
	[smem:$0x3FD2] =	sst s25  }
0xa8: {  	s7 =	sshll.u32 s26, $0x1;
	_ =	strace $0x80000046;
	[dreg:$0x1] =	wrdreg $0xFFFFFFFF  }
0xa9: {  	s28 =	simm.s32 $_size_execute0_lowered;
	s5 =	sadd.s32 s5, s7;
	[dreg:$0x0] =	wrdreg $0x0  }
0xaa: {  	s7 =	sshll.u32 s28, $0x1;
	[dreg:$0x2] =	wrdreg s5  }
0xab: {  	[dreg:$0x3] =	wrdreg s7  }
0xac: {  	[dreg:$0x4] =	wrdreg $0xC0  }
0xad: {  	_ =	task [dreg:s9], $0x5FFFF  }
0xae: {  	[dreg:$0x1] =	wrdreg $0xFFFFFFFF  }
0xaf: {  	[dreg:$0x0] =	wrdreg $0x60  }
0xb0: {  	[dreg:$0x2] =	wrdreg s2  }
0xb1: {  	[dreg:$0x3] =	wrdreg s18  }
0xb2: {  	[dreg:$0x4] =	wrdreg s4  }
0xb3: {  	[dreg:$0x5] =	wrdreg s24  }
0xb4: {  	[dreg:$0x6] =	wrdreg $0x0  }
0xb5: {  	[dreg:$0x7] =	wrdreg $0x30D80  }
0xb6: {  	[dreg:$0x8] =	wrdreg $0x9  }
0xb7: {  	_ =	task.clear_ibuf [dreg:s9], $0x9FFFF;
	_ =	strace $0x90000046  }
0xb8: {  	s29 =	simm.s32 $0x9;
	_ =	strace $0x80000048  }
0xb9: {  	_ =	swait.ge [sflag:s29], $0x1  }
0xba: {  	[sflag:s29] =	ssyncadd.s32 $0xFFFFFFFF  }
0xbb: {  	_ =	strace $0x90000048  }
0xbc: {  	_ =	sfence  }
0xbd: {  	s30 =	sld [smem:$0x0];
	_ =	sdelay $0x2  }
0xbe: {  	s31 =	sshll.u32 s1, $0xD;
	s1 =	sshrl.u32 s1, $0x2  }
0xbf: {  	s3 =	sand.u32 $0x4000, s31;
	s1 =	sadd.s32 s1, s30  }
0xc0: {  	s0 =	sor.u32 s3, s0;
	s1 =	sshll.u32 s1, $0x11  }
0xc1: {  	s0 =	sor.u32 s1, s0  }
0xc2: {  	s0 =	sadd.s32 $0x8F2B, s0  }
0xc3: {  	[sflag:s0] =	ssyncadd.remote.s32 $0x1  }
0xc4: {  	_ =	sfence.sel $0xFFFF  }
0xc5: {  	[dreg:$0x0] =	wrdreg $0xFFFFFFFF;
	(pc) =	sbr.abs _section_cstart, $3  }
0xc6: {  	[dreg:$0x1] =	wrdreg $0xFFFFFFFF  }
0xc7: {  	_ =	task.clear_ibuf [dreg:s9], $0x2FFFF;
	_ =	strace $0x9FFFFFFF  }
0xc8: {  	(tm) =	ssettm $0x7FFFFFFF  }
0xc9: {  	_ =	shalt  }
tec
execute0_lowered:
.L_overlay_start_1:
0x0: {  	(tag) =	ssettag $0x1  }
0x1: {  	s0 =	rddreg [dreg:$0x0]  }
0x2: {  	s1 =	rddreg [dreg:$0x1]  }
0x3: {  	s8 =	rddreg [dreg:$0x2]  }
0x4: {  	s5 =	rddreg [dreg:$0x3];
	s3 =	srdreg.scid  }
0x5: {  	s11 =	stileid.u32;
	s2 =	rddreg [dreg:$0x4];
	s16 =	simm.s32 $0x61B0  }
0x6: {  	s17 =	simm.s32 $0x2;
	s20 =	simm.s32 $0x80;
	s21 =	simm.s32 $0x1  }
0x7: {  	s22 =	simm.s32 $0xD0B0;
	s23 =	simm.s32 $0xDDB0;
	s28 =	simm.s32 $0xF8B0  }
0x8: {  	s29 =	simm.s32 $0xFC30;
	s30 =	simm.s32 $0xFFB0;
	s31 =	simm.s32 $0x0  }
0x9: {  	s6 =	sand.u32 $0x1, s3;
	s4 =	sshll.u32 s11, $0x1;
	s3 =	rddreg [dreg:$0x5]  }
0xa: {  	s10 =	smul.u32 $0x61A8, s11;
	p0 =	slt.u32 s11, $0x8;
	s7 =	sor.u32 s6, s4  }
0xb: {  	s4 =	simm.s32 $0x0;
	s6 =	ssub.s32 $0x2, s6;
	s9 =	smul.u32 $0x68, s7  }
0xc: {  	[smem:$0x7FF] =	sst s4;
	s24 =	sshrl.u32 s6, $0x1;
	s25 =	sshrl.u32 s10, $0x3  }
0xd: {  	s7 =	smul.u32 $0x1A0, s7;
	s26 =	sadd.s32 s10, s3;
	_ =	strace $0x80000047  }
0xe: {  	s15 =	ssub.s32 s6, s24;
	s6 =	sadd.s32 $0xFFFCF2C0, s26;
	s24 =	simm.s32 $0xEE30  }
0xf: {  	s26 =	simm.s32 $0xF530;
	s14 =	sadd.s32 s9, s5;
	s5 =	sadd.s32 s0, s25  }
0x10: {  	v0 =	vlaneseq.u32;
	s0 =	sadd.s32 s10, s2;
	s7 =	sadd.s32 s1, s7;
	s8 =	sadd.s32 s8, s9  }
0x11: {  	v0 =	vmul.u32 $0x4, v0;
	s15 =	smax.u32 s15, $0x1;
	s25 =	simm.s32 $0xF1B0;
	s9 =	sadd.s32 $0x3200, s14  }
0x12: {  	s10 =	sadd.s32 $0x4000, s14;
	s11 =	sadd.s32 $0x4E00, s14;
	s12 =	sadd.s32 $0x5C00, s14  }
0x13: {  	v1 =	vor.u32 $0x1, v0;
	v2 =	vor.u32 $0x2, v0;
	v3 =	vor.u32 $0x3, v0;
	s13 =	sadd.s32 $0x6A00, s14;
	s14 =	sadd.s32 $0x7800, s14;
	s6 =	smov.u32 @p0 s0  }
.LBB2_1:
0x14: {  	[tilespmem:s16], [sflag:$0x2] =	stream.linear.gather [hbm4b:s5+s4], $0x61A8, $0x38;
	[tilespmem:$0x10330] =	vst v63  }
0x15: {  	_ =	swait.ge [sflag:s17], $0x61A8  }
0x16: {  	[sflag:s17] =	ssyncset.done $0x0  }
0x17: {  	[sflag:s17] =	ssyncadd.s32 $0xFFFF9E58  }
0x18: {  	[spmem:s6] =	stream.linear.scatter [tilespmem:s16], [sflag:$0x2], $0x61A8, $0x38;
	[tilespmem:$0x10330] =	vst v63  }
0x19: {  	_ =	swait.ge [sflag:s17], $0x61A8  }
0x1a: {  	[sflag:s17] =	ssyncset.done $0x0  }
0x1b: {  	s0 =	simm.s32 $0xC3B0;
	[sflag:s17] =	ssyncadd.s32 $0xFFFF9E58  }
0x1c: {  	[tilespmem:s0], [sflag:$0x2] =	stream.linear.gather [hbm4b:s7+s4], $0xD00, $0x38;
	[tilespmem:$0x10330] =	vst v63  }
0x1d: {  	_ =	swait.ge [sflag:s17], $0xD00  }
0x1e: {  	[sflag:s17] =	ssyncset.done $0x0  }
0x1f: {  	s18 =	simm.s32 $0xEAB0;
	[sflag:s17] =	ssyncadd.s32 $0xFFFFF300  }
0x20: {  	[tilespmem:s18], [sflag:$0x2] =	stream.linear.gather [hbm4b:s8+s4], $0x340, $0x38;
	[tilespmem:$0x10330] =	vst v63  }
0x21: {  	_ =	swait.ge [sflag:s17], $0x340  }
0x22: {  	[sflag:s17] =	ssyncset.done $0x0  }
0x23: {  	s19 =	simm.s32 $0xD0B0;
	s1 =	simm.s32 $0xC3B0;
	[sflag:s17] =	ssyncadd.s32 $0xFFFFFCC0  }
0x24: {  	s0 =	simm.s32 $0x200;
	s18 =	simm.s32 $0xDDB0;
	[bflag:$0x0] =	sbarrier.arrive $0xFFFF  }
0x25: {  	[tilespmem:s19], [sflag:$0x1] =	stream.indirect.gather [spmem:s2], $0x1, s1, s20, $0xb8;
	[tilespmem:$0x10330] =	vst v63  }
.LBB2_2:
0x26: {  	[tilespmem:s18], [sflag:$0x1] =	stream.indirect.gather [spmem:s3], $0x1, s1, s20, $0xb8;
	[tilespmem:$0x10330] =	vst v63  }
0x27: {  	s1 =	smov.u32 s0;
	p0 =	sne.s32 s0, $0x3200  }
.Ltmp0:
0x28: {  	s0 =	sadd.s32 $0x200, s0;
	(pc) =	sbr.rel @p0 .LBB2_2-.Ltmp0, $4  }
0x29: {  	s18 =	sshra.s32 s1, $0x2  }
0x2a: {  	s19 =	sadd.s32 $0xD0B0, s18;
	s1 =	sadd.s32 $0xC3B0, s18  }
0x2b: {  	[tilespmem:s19], [sflag:$0x1] =	stream.indirect.gather [spmem:s2], $0x1, s1, s20, $0xb8;
	[tilespmem:$0x10330] =	vst v63  }
0x2c: {  	s18 =	sadd.s32 $0xDDB0, s18  }
0x2d: {  	[tilespmem:s18], [sflag:$0x1] =	stream.indirect.gather [spmem:s3], $0x1, s1, s20, $0xb8;
	[tilespmem:$0x10330] =	vst v63  }
0x2e: {  	_ =	swait.ge [sflag:s21], $0x80  }
0x2f: {  	[sflag:s21] =	ssyncset.done $0x0  }
0x30: {  	[sflag:s21] =	ssyncadd.s32 $0xFFFFFF80  }
0x31: {  	_ =	swait.ge [sflag:s21], $0x80  }
0x32: {  	s0 =	simm.s32 $0x19;
	[sflag:s21] =	ssyncset.done $0x0  }
.LBB2_4:
0x33: {  	p0 =	sne.s32 s0, $0x1;
	s0 =	sadd.s32 $0xFFFFFFFF, s0;
	[sflag:s21] =	ssyncadd.s32 $0xFFFFFF80  }
.Ltmp1:
0x34: {  	_ =	swait.ge [sflag:s21], $0x80;
	(pc) =	sbr.rel @p0 .LBB2_4-.Ltmp1, $4  }
0x35: {  	[sflag:s21] =	ssyncset.done $0x0  }
0x36: {  	[sflag:s21] =	ssyncadd.s32 $0xFFFFFF80  }
0x37: {  	_ =	swait.ge [sflag:s21], $0x80  }
0x38: {  	[sflag:s21] =	ssyncset.done $0x0  }
0x39: {  	s0 =	simm.s32 $0x0  }
0x3a: {  	v4 =	vor.u32 s0, v2  }
0x3b: {  	v5 =	vor.u32 s0, v1  }
0x3c: {  	v6 =	vor.u32 s0, v3  }
0x3d: {  	v7 =	vor.u32 s0, v0  }
0x3e: {  	[sflag:s21] =	ssyncadd.s32 $0xFFFFFF80  }
0x3f: {  	v8 =	vld.idx.msk [tilespmem:v4+s23+$0x0], $0xffff  }
0x40: {  	v9 =	vld.idx.msk [tilespmem:v5+s23+$0x0], $0xffff  }
0x41: {  	v10 =	vld.idx.msk [tilespmem:v6+s23+$0x0], $0xffff  }
0x42: {  	v11 =	vld.idx.msk [tilespmem:v7+s22+$0x0], $0xffff  }
0x43: {  	v7 =	vld.idx.msk [tilespmem:v7+s23+$0x0], $0xffff  }
0x44: {  	v6 =	vld.idx.msk [tilespmem:v6+s22+$0x0], $0xffff  }
0x45: {  	v4 =	vld.idx.msk [tilespmem:v4+s22+$0x0], $0xffff  }
0x46: {  	v5 =	vld.idx.msk [tilespmem:v5+s22+$0x0], $0xffff;
	_ =	sdelay $0x2  }
0x47: {  	v12 =	vmin.f32 v7, v9  }
0x48: {  	v7 =	vmax.f32 v7, v9;
	v58 =	vmin.f32 v8, v10;
	v8 =	vmax.f32 v8, v10  }
0x49: {  	v59 =	vmin.f32 v4, v6;
	v4 =	vmax.f32 v4, v6;
	v61 =	vmin.f32 v11, v5  }
0x4a: {  	v5 =	vmax.f32 v11, v5;
	v60 =	vmin.f32 v12, v58;
	v7 =	vmax.f32 v7, v8  }
0x4b: {  	v62 =	vmin.f32 v61, v59;
	v4 =	vmax.f32 v5, v4;
	v5 =	vsub.f32 v7, v60  }
0x4c: {  	s0 =	simm.s32 $0x0;
	v9 =	vsub.f32 v4, v62  }
0x4d: {  	[tilespmem:s0+$0xF530] =	vst v60;
	v5 =	vadd.f32 $9.999999960e-13, v5  }
0x4e: {  	[tilespmem:s0+$0xF8B0] =	vst v7;
	v63 =	vadd.f32 $9.999999960e-13, v9  }
0x4f: {  	[tilespmem:s0+$0xEE30] =	vst v62;
	(erf) = vrcp.f32 v5  }
0x50: {  	s1 =	simm.s32 $0x40;
	[tilespmem:s0+$0xF1B0] =	vst v4;
	(erf) = vrcp.f32 v63  }
.LBB2_6:
0x51: {  	_ =	sdelay $0x1  }
0x52: {  	p0 =	sne.s32 s1, $0xCC0;
	s18 =	smov.u32 s1;
	s1 =	sadd.s32 $0x40, s1  }
0x53: {  	v4 =	vld [tilespmem:s0+$0xEAB0]  }
0x54: {  	v5 =	vor.u32 s18, v0;
	v6 =	vor.u32 s18, v3  }
0x55: {  	v7 =	vor.u32 s18, v1;
	v8 =	vor.u32 s18, v2;
	_ =	sdelay $0x1  }
0x56: {  	v9 =	vpop (erf)  }
0x57: {  	v9 =	vmul.f32 v9, v4;
	v10 =	vpop (erf)  }
0x58: {  	v4 =	vmul.f32 v10, v4  }
0x59: {  	[tilespmem:s0+$0xFC30] =	vst v9  }
0x5a: {  	[tilespmem:s0+$0xFFB0] =	vst v4  }
0x5b: {  	v4 =	vld.idx.msk [tilespmem:v8+s23+$0x0], $0xffff  }
0x5c: {  	v9 =	vld.idx.msk [tilespmem:v7+s23+$0x0], $0xffff  }
0x5d: {  	v10 =	vld.idx.msk [tilespmem:v6+s23+$0x0], $0xffff  }
0x5e: {  	v11 =	vld.idx.msk [tilespmem:v5+s22+$0x0], $0xffff  }
0x5f: {  	v5 =	vld.idx.msk [tilespmem:v5+s23+$0x0], $0xffff  }
0x60: {  	v6 =	vld.idx.msk [tilespmem:v6+s22+$0x0], $0xffff  }
0x61: {  	v8 =	vld.idx.msk [tilespmem:v8+s22+$0x0], $0xffff  }
0x62: {  	v7 =	vld.idx.msk [tilespmem:v7+s22+$0x0], $0xffff;
	_ =	sdelay $0x2  }
0x63: {  	v12 =	vmin.f32 v5, v9;
	v5 =	vmax.f32 v5, v9  }
0x64: {  	v9 =	vmin.f32 v4, v10;
	v4 =	vmax.f32 v4, v10  }
0x65: {  	s0 =	sshra.s32 s18, $0x2;
	v10 =	vmin.f32 v8, v6;
	v6 =	vmax.f32 v8, v6;
	v8 =	vmin.f32 v12, v9  }
0x66: {  	v4 =	vmax.f32 v5, v4;
	v9 =	vmin.f32 v11, v7;
	v7 =	vmax.f32 v11, v7;
	[tilespmem:s0+$0xF530] =	vst v8  }
0x67: {  	v5 =	vmin.f32 v9, v10;
	v6 =	vmax.f32 v7, v6;
	[tilespmem:s0+$0xF8B0] =	vst v4;
	v4 =	vsub.f32 v4, v8  }
.Ltmp2:
0x68: {  	[tilespmem:s0+$0xEE30] =	vst v5;
	v5 =	vsub.f32 v6, v5;
	(pc) =	sbr.rel @p0 .LBB2_6-.Ltmp2, $4  }
0x69: {  	[tilespmem:s0+$0xF1B0] =	vst v6;
	v4 =	vadd.f32 $9.999999960e-13, v4  }
0x6a: {  	v5 =	vadd.f32 $9.999999960e-13, v5  }
0x6b: {  	(erf) = vrcp.f32 v4  }
0x6c: {  	(erf) = vrcp.f32 v5  }
0x6d: {  	_ =	sdelay $0x2  }
0x6e: {  	v4 =	vld [tilespmem:s0+$0xEAB0];
	_ =	sdelay $0x3  }
0x6f: {  	v5 =	vpop (erf)  }
0x70: {  	v5 =	vmul.f32 v5, v4;
	v6 =	vpop (erf)  }
0x71: {  	v4 =	vmul.f32 v6, v4  }
0x72: {  	[tilespmem:s0+$0xFC30] =	vst v5  }
0x73: {  	[tilespmem:s0+$0xFFB0] =	vst v4  }
0x74: {  	[hbm4b:s9+s4] =	stream.linear.scatter [tilespmem:s24], [sflag:$0x2], $0x340, $0x38;
	[tilespmem:$0x10330] =	vst v63  }
0x75: {  	_ =	swait.ge [sflag:s17], $0x340  }
0x76: {  	[sflag:s17] =	ssyncset.done $0x0  }
0x77: {  	[sflag:s17] =	ssyncadd.s32 $0xFFFFFCC0  }
0x78: {  	[hbm4b:s10+s4] =	stream.linear.scatter [tilespmem:s25], [sflag:$0x2], $0x340, $0x38;
	[tilespmem:$0x10330] =	vst v63  }
0x79: {  	_ =	swait.ge [sflag:s17], $0x340  }
0x7a: {  	[sflag:s17] =	ssyncset.done $0x0  }
0x7b: {  	[sflag:s17] =	ssyncadd.s32 $0xFFFFFCC0  }
0x7c: {  	[hbm4b:s11+s4] =	stream.linear.scatter [tilespmem:s26], [sflag:$0x2], $0x340, $0x38;
	[tilespmem:$0x10330] =	vst v63  }
0x7d: {  	_ =	swait.ge [sflag:s17], $0x340  }
0x7e: {  	[sflag:s17] =	ssyncset.done $0x0  }
0x7f: {  	[sflag:s17] =	ssyncadd.s32 $0xFFFFFCC0  }
0x80: {  	[hbm4b:s12+s4] =	stream.linear.scatter [tilespmem:s28], [sflag:$0x2], $0x340, $0x38;
	[tilespmem:$0x10330] =	vst v63  }
0x81: {  	_ =	swait.ge [sflag:s17], $0x340  }
0x82: {  	[sflag:s17] =	ssyncset.done $0x0  }
0x83: {  	[sflag:s17] =	ssyncadd.s32 $0xFFFFFCC0  }
0x84: {  	[hbm4b:s13+s4] =	stream.linear.scatter [tilespmem:s29], [sflag:$0x2], $0x340, $0x38;
	[tilespmem:$0x10330] =	vst v63  }
0x85: {  	s31 =	sadd.s32 $0x1, s31;
	_ =	swait.ge [sflag:s17], $0x340  }
0x86: {  	p0 =	sne.s32 s31, s15;
	[sflag:s17] =	ssyncset.done $0x0  }
.Ltmp3:
0x87: {  	[sflag:s17] =	ssyncadd.s32 $0xFFFFFCC0;
	(pc) =	sbr.rel @p0 .LBB2_1-.Ltmp3, $4  }
0x88: {  	[hbm4b:s14+s4] =	stream.linear.scatter [tilespmem:s30], [sflag:$0x2], $0x340, $0x38;
	[tilespmem:$0x10330] =	vst v63  }
0x89: {  	_ =	swait.ge [sflag:s17], $0x340  }
0x8a: {  	[sflag:s17] =	ssyncset.done $0x0  }
0x8b: {  	[sflag:s17] =	ssyncadd.s32 $0xFFFFFCC0  }
0x8c: {  	_ =	sfence.sel $0x180000  }
0x8d: {  	[bflag:$0x0] =	sbarrier.arrive $0xFFFF  }
0x8e: {  	_ =	strace $0x90000047  }
0x8f: {  	s0 =	stileid.u32;
	[bflag:$0x2] =	sbarrier.arrive $0xFFFF  }
0x90: {  	p0 =	sne.s32 s0, $0x0;
	s0 =	rddreg [dreg:$0x6]  }
0x91: {  	s0 =	sadd.s32 @!p0 $0x100000, s0  }
0x92: {  	[sflag:s0] =	ssyncadd.tile.s32 @!p0 $0x1;
	_ =	shalt  }
.Lfunc_end2:
_tile_overlayer_lowered:
.L_overlay_start_2:
0x93: {  	(tag) =	ssettag $0x2  }
0x94: {  	s0 =	rddreg [dreg:$0x0];
	s2 =	stileid.u32  }
0x95: {  	s1 =	rddreg [dreg:$0x1];
	p0 =	sne.s32 s2, $0x0  }
0x96: {  	s3 =	rddreg [dreg:$0x2];
	[bflag:$0x3] =	sbarrier.arrive $0xFFFF;
	s2 =	simm.s32 @!p0 $0x1C02  }
0x97: {  	[timem:s3], [sflag:s2] =	dma.local @!p0 [hbm:s0], s1  }
0x98: {  	s0 =	simm.s32 @!p0 $0x2  }
0x99: {  	_ =	swait.ge @!p0 [sflag:s0], s1  }
0x9a: {  	s1 =	ssub.s32 @!p0 $0x0, s1;
	[sflag:s0] =	ssyncset.done @!p0 $0x0  }
0x9b: {  	[sflag:s0] =	ssyncadd.s32 @!p0 s1  }
0x9c: {  	[bflag:$0x3] =	sbarrier.arrive $0xFFFF  }
0x9d: {  	_ =	shalt  }

</sc_bundles>
